<compile_context>
chip_gen: v7x
topology: tpu7x:2x2x1
jax: 0.10.2.dev20260603
libtpu: 0.0.44.dev20260713+nightly
codegen_flags: <defaults>
</compile_context>

<pallas_src>
import functools

import jax
import jax.numpy as jnp
from jax import lax
from jax.experimental import pallas as pl
from jax.experimental.pallas import tpu as pltpu
from jax.experimental.pallas import tpu_sc as plsc

NC = 2
NS = 16
NW = NC * NS
K = 128


def _mesh():
    return plsc.VectorSubcoreMesh(core_axis_name="c", subcore_axis_name="s")


def _row_padding(N):
    NP = -(-N // 8) * 8 + 8
    NPT = -(-(-(-NP // NS)) // 8) * 8
    LAST = NP - NPT * (NS - 1)
    assert 0 < LAST <= NPT and NP > N
    return NP, NPT, LAST


def _init_table(tab, zeros_hbm, s, NPT, LAST):
    if LAST == NPT:
        pltpu.sync_copy(zeros_hbm, tab.at[pl.ds(s * NPT, NPT)])
    else:
        @pl.when(s < NS - 1)
        def _():
            pltpu.sync_copy(zeros_hbm, tab.at[pl.ds(s * NPT, NPT)])

        @pl.when(s == NS - 1)
        def _():
            pltpu.sync_copy(zeros_hbm.at[pl.ds(0, LAST)],
                            tab.at[pl.ds((NS - 1) * NPT, LAST)])


def _read_table(tab, out_hbm, c, s, NPT, LAST):
    if LAST == NPT:
        pltpu.sync_copy(tab.at[pl.ds(s * NPT, NPT)],
                        out_hbm.at[c, pl.ds(s * NPT, NPT)])
    else:
        @pl.when(s < NS - 1)
        def _():
            pltpu.sync_copy(tab.at[pl.ds(s * NPT, NPT)],
                            out_hbm.at[c, pl.ds(s * NPT, NPT)])

        @pl.when(s == NS - 1)
        def _():
            pltpu.sync_copy(tab.at[pl.ds((NS - 1) * NPT, LAST)],
                            out_hbm.at[c, pl.ds((NS - 1) * NPT, LAST)])


def _make_deg_kernel(N, E, D):
    NRT = E // K
    NR = NRT // NW
    assert NRT == NR * NW and NR % 4 == 0 and NR >= 8
    NP, NPT, LAST = _row_padding(N)

    @functools.partial(
        pl.kernel,
        out_type=jax.ShapeDtypeStruct((NC, NP, D), jnp.float32),
        mesh=_mesh(),
        scratch_types=[
            pltpu.VMEM_SHARED((NP, D), jnp.float32),
            pltpu.VMEM((2, K), jnp.int32),
            pltpu.VMEM((2, K), jnp.int32),
            pltpu.VMEM((K, D), jnp.float32),
            pltpu.SemaphoreType.DMA,
            pltpu.SemaphoreType.DMA,
        ],
    )
    def deg_kernel(sd_hbm, ones_hbm, zeros_hbm, out_hbm, degsp, idxb0, idxb1,
                   ones_v, ssem0, ssem1):
        c = lax.axis_index("c")
        s = lax.axis_index("s")
        w = c * NS + s
        base = w * NR
        _init_table(degsp, zeros_hbm, s, NPT, LAST)
        pltpu.sync_copy(ones_hbm, ones_v)
        plsc.subcore_barrier()

        def load_idx(j, buf):
            pltpu.sync_copy(sd_hbm.at[base + j], buf)

        def fire(buf, sem):
            pltpu.async_copy(ones_v, degsp.at[buf.at[1]], sem, add=True)

        def drain(buf, sem):
            pltpu.make_async_copy(ones_v, degsp.at[buf.at[1]], sem).wait()

        load_idx(0, idxb0)
        load_idx(1, idxb1)
        fire(idxb0, ssem0)
        fire(idxb1, ssem1)

        def pair(p, carry):
            j0 = 2 * p
            drain(idxb0, ssem0)
            load_idx(j0 + 2, idxb0)
            fire(idxb0, ssem0)
            drain(idxb1, ssem1)
            load_idx(j0 + 3, idxb1)
            fire(idxb1, ssem1)
            return carry

        lax.fori_loop(0, NR // 2 - 1, pair, 0)
        drain(idxb0, ssem0)
        drain(idxb1, ssem1)
        plsc.subcore_barrier()
        _read_table(degsp, out_hbm, c, s, NPT, LAST)

    return deg_kernel


def _make_edge_kernel(N, E, D):
    NRT = E // K
    NR = NRT // NW
    assert NRT == NR * NW and NR % 4 == 0 and NR >= 8
    NP, NPT, LAST = _row_padding(N)

    @functools.partial(
        pl.kernel,
        out_type=jax.ShapeDtypeStruct((NC, NP, D), jnp.float32),
        mesh=_mesh(),
        scratch_types=[
            pltpu.VMEM_SHARED((NP, D), jnp.float32),
            pltpu.VMEM((2, K), jnp.int32),
            pltpu.VMEM((2, K), jnp.int32),
            pltpu.VMEM((K, D), jnp.float32),
            pltpu.VMEM((K, D), jnp.float32),
            pltpu.SemaphoreType.DMA,
            pltpu.SemaphoreType.DMA,
        ],
    )
    def edge_kernel(hs_hbm, sd_hbm, zeros_hbm, out_hbm, accsp,
                    idxb0, idxb1, rows0, rows1, gsem0, gsem1):
        c = lax.axis_index("c")
        s = lax.axis_index("s")
        w = c * NS + s
        base = w * NR
        _init_table(accsp, zeros_hbm, s, NPT, LAST)
        plsc.subcore_barrier()

        def load_idx(j, buf):
            pltpu.sync_copy(sd_hbm.at[base + j], buf)

        def fire_g(buf, rows, sem):
            pltpu.async_copy(hs_hbm.at[buf.at[0]], rows, sem)

        def drain_g(buf, rows, sem):
            pltpu.make_async_copy(hs_hbm.at[buf.at[0]], rows, sem).wait()

        def scat(buf, rows):
            pltpu.sync_copy(rows, accsp.at[buf.at[1]], add=True)

        load_idx(0, idxb0)
        load_idx(1, idxb1)
        fire_g(idxb0, rows0, gsem0)
        fire_g(idxb1, rows1, gsem1)

        def pair(p, carry):
            j0 = 2 * p
            drain_g(idxb0, rows0, gsem0)
            scat(idxb0, rows0)
            load_idx(j0 + 2, idxb0)
            fire_g(idxb0, rows0, gsem0)
            drain_g(idxb1, rows1, gsem1)
            scat(idxb1, rows1)
            load_idx(j0 + 3, idxb1)
            fire_g(idxb1, rows1, gsem1)
            return carry

        lax.fori_loop(0, NR // 2 - 1, pair, 0)
        drain_g(idxb0, rows0, gsem0)
        scat(idxb0, rows0)
        drain_g(idxb1, rows1, gsem1)
        scat(idxb1, rows1)
        plsc.subcore_barrier()
        _read_table(accsp, out_hbm, c, s, NPT, LAST)

    return edge_kernel


def _dis_from_deg(degp_ref):
    deg = degp_ref[0][:, 0:1] + degp_ref[1][:, 0:1] + 1.0
    return lax.rsqrt(deg)


def _tc_matmul(x_ref, w_ref, h_ref):
    h_ref[...] = jnp.dot(x_ref[...], w_ref[...],
                         preferred_element_type=jnp.float32,
                         precision=lax.Precision.HIGHEST)


def _tc_scale(h_ref, degp_ref, hs_ref):
    dis = _dis_from_deg(degp_ref)
    hs_ref[...] = h_ref[...] * dis


def _tc_mid(acc_ref, hs_ref, degp_ref, b_ref, w_ref, out_ref):
    dis = _dis_from_deg(degp_ref)
    t = dis * (acc_ref[0] + acc_ref[1] + hs_ref[...]) + b_ref[...]
    o1 = jnp.maximum(t, 0.0)
    h2 = jnp.dot(o1, w_ref[...], preferred_element_type=jnp.float32,
                 precision=lax.Precision.HIGHEST)
    out_ref[...] = h2 * dis


def _tc_last(acc_ref, hs_ref, degp_ref, b_ref, out_ref):
    dis = _dis_from_deg(degp_ref)
    out_ref[...] = dis * (acc_ref[0] + acc_ref[1] + hs_ref[...]) + b_ref[...]


def kernel(x, edge_index, W1, b1, W2, b2):
    N, D = x.shape
    E = edge_index.shape[1]
    assert N % NS == 0

    blk = NW * K * 4
    EP = -(-E // blk) * blk
    idt = edge_index.dtype
    if EP != E:
        fill = jnp.arange(EP - E, dtype=idt) % N
        src_pad = jnp.concatenate([edge_index[0], fill])
        dst_pad = jnp.concatenate([edge_index[1], jnp.full((EP - E,), N, idt)])
    else:
        src_pad, dst_pad = edge_index[0], edge_index[1]
    sd = jnp.stack([src_pad.reshape(EP // K, K),
                    dst_pad.reshape(EP // K, K)], axis=1)
    f32 = jnp.float32
    NP, NPT, _ = _row_padding(N)
    onesD = jnp.ones((K, D), f32)
    zerosD = jnp.zeros((NPT, D), f32)

    BN = 400
    grid = (N // BN,)
    blk_nd = pl.BlockSpec((BN, D), lambda i: (i, 0))
    blk_w = pl.BlockSpec((D, D), lambda i: (0, 0))
    blk_deg = pl.BlockSpec((NC, BN, D), lambda i: (0, i, 0))
    blk_acc = pl.BlockSpec((NC, BN, D), lambda i: (0, i, 0))
    blk_b = pl.BlockSpec((1, D), lambda i: (0, 0))
    out_nd = jax.ShapeDtypeStruct((N, D), f32)

    h1 = pl.pallas_call(
        _tc_matmul, grid=grid,
        in_specs=[blk_nd, blk_w],
        out_specs=blk_nd, out_shape=out_nd,
    )(x, W1)
    degp = _make_deg_kernel(N, EP, D)(sd, onesD, zerosD)[:, :N]
    hs1 = pl.pallas_call(
        _tc_scale, grid=grid,
        in_specs=[blk_nd, blk_deg],
        out_specs=blk_nd, out_shape=out_nd,
    )(h1, degp)

    edge_k = _make_edge_kernel(N, EP, D)
    acc1 = edge_k(hs1, sd, zerosD)[:, :N]

    hs2 = pl.pallas_call(
        _tc_mid, grid=grid,
        in_specs=[blk_acc, blk_nd, blk_deg, blk_b, blk_w],
        out_specs=blk_nd, out_shape=out_nd,
    )(acc1, hs1, degp, b1.reshape(1, D), W2)

    acc2 = edge_k(hs2, sd, zerosD)[:, :N]

    out = pl.pallas_call(
        _tc_last, grid=grid,
        in_specs=[blk_acc, blk_nd, blk_deg, blk_b],
        out_specs=blk_nd, out_shape=out_nd,
    )(acc2, hs2, degp, b2.reshape(1, D))
    return out

# --- scband reference (transcript-rebuilt; emitter-appended) ---
"""Pipeline reference for scband-gcnlink-predictor-75831942578596 (READ-ONLY COPY).

The authoritative reference and input builder live on the scoring server;
editing this copy changes nothing except your own understanding.
"""

import jax, jax.numpy as jnp
import numpy as np


def gcn_conv(x, edge_index, W, b):
    N = x.shape[0]
    loop = jnp.arange(N, dtype=edge_index.dtype)
    src = jnp.concatenate([edge_index[0], loop])
    dst = jnp.concatenate([edge_index[1], loop])
    h = x @ W
    deg = jnp.zeros((N,), dtype=h.dtype).at[dst].add(1.0)
    dis = jnp.where(deg > 0, deg ** -0.5, 0.0)
    norm = dis[src] * dis[dst]
    msg = h[src] * norm[:, None]
    out = jnp.zeros_like(h).at[dst].add(msg)
    return out + b


def setup_inputs(seed: int = 0):
    key = jax.random.key(seed)
    k1, k2, k3, k4, k5, k6 = jax.random.split(key, 6)
    N, E, d_in, d_hid = 10000, 320000, 128, 128
    x = jax.random.normal(k1, (N, d_in), dtype=jnp.float32)
    edge_index = jax.random.randint(k2, (2, E), 0, N, dtype=jnp.int32)
    W1 = jax.random.normal(k3, (d_in, d_hid), dtype=jnp.float32) * (1.0 / np.sqrt(d_in))
    b1 = jnp.zeros((d_hid,), dtype=jnp.float32)
    W2 = jax.random.normal(k4, (d_hid, d_hid), dtype=jnp.float32) * (1.0 / np.sqrt(d_hid))
    b2 = jnp.zeros((d_hid,), dtype=jnp.float32)
    return {"x": x, "edge_index": edge_index, "W1": W1, "b1": b1, "W2": W2, "b2": b2}


def reference(x, edge_index, W1, b1, W2, b2):
    h = jax.nn.relu(gcn_conv(x, edge_index, W1, b1))
    out = gcn_conv(h, edge_index, W2, b2)
    return out

if __name__ == "__main__":
    import jax
    _d = setup_inputs()
    print(jax.jit(kernel)(*tuple(_d.values())))

</pallas_src>

<mosaic_0001>
#map = affine_map<(d0, d1) -> (0, 0)>
#map1 = affine_map<(d0, d1) -> (0, 0, 0)>
module attributes {stable_mosaic.version = 14 : i64} {
  func.func @edge_kernel(%arg0: i32, %arg1: i32, %arg2: memref<10000x128xf32, #tpu.memory_space<hbm>>, %arg3: memref<2560x2x128xi32, #tpu.memory_space<hbm>>, %arg4: memref<632x128xf32, #tpu.memory_space<hbm>>, %arg5: memref<2x10008x128xf32, #tpu.memory_space<hbm>>, %arg6: memref<10008x128xf32, #tpu.memory_space<vmem_shared>>, %arg7: memref<2x128xi32, #tpu.memory_space<vmem>>, %arg8: memref<2x128xi32, #tpu.memory_space<vmem>>, %arg9: memref<128x128xf32, #tpu.memory_space<vmem>>, %arg10: memref<128x128xf32, #tpu.memory_space<vmem>>, %arg11: memref<!tpu.dma_semaphore, #tpu.memory_space<semaphore_mem>>, %arg12: memref<!tpu.dma_semaphore, #tpu.memory_space<semaphore_mem>>) attributes {dimension_semantics = [#tpu.dimension_semantics<core_parallel>, #tpu.dimension_semantics<subcore_parallel>], iteration_bounds = array<i64: 2, 16>, scalar_prefetch = 0 : i64, scratch_operands = 7 : i64, tpu.core_type = #tpu.core_type<sc_vector_subcore>, window_params = [{transform_indices = #map}, {transform_indices = #map1}, {transform_indices = #map}, {transform_indices = #map1}]} {
    %mul3A = arith.constant 16 : i32
    %mul3A_0 = arith.muli %arg0, %mul3A : i32
    %add3A = arith.addi %mul3A_0, %arg1 : i32
    %mul3A_1 = arith.constant 80 : i32
    %mul3A_2 = arith.muli %add3A, %mul3A_1 : i32
    %lt3A = arith.constant 15 : i32
    %lt3A_3 = arith.cmpi slt, %arg1, %lt3A : i32
    %convert_element_type3A = arith.extui %lt3A_3 : i1 to i32
    %cond3A = arith.constant 0 : i32
    %cond3A_4 = arith.cmpi ne, %convert_element_type3A, %cond3A : i32
    scf.if %cond3A_4 {
      %mul3A_56 = arith.constant 632 : i32
      %mul3A_57 = arith.muli %arg1, %mul3A_56 : i32
      "tpu.region"() ({
        %run_scoped3A_58 = tpu.sem_alloc : memref<!tpu.dma_semaphore, #tpu.memory_space<semaphore_mem>>
        %dma_start3A_59 = arith.constant 0 : i32
        %dma_start3A_60 = tpu.memref_slice %arg6[%mul3A_57, %dma_start3A_59] : memref<10008x128xf32, #tpu.memory_space<vmem_shared>> -> memref<632x128xf32, #tpu.memory_space<vmem_shared>>
        tpu.enqueue_dma source(%arg4 : memref<632x128xf32, #tpu.memory_space<hbm>>) target(%dma_start3A_60 : memref<632x128xf32, #tpu.memory_space<vmem_shared>>) target_semaphore(%run_scoped3A_58 : memref<!tpu.dma_semaphore, #tpu.memory_space<semaphore_mem>>)
        %dma_wait3A_61 = arith.constant 0 : i32
        %dma_wait3A_62 = tpu.memref_slice %arg6[%mul3A_57, %dma_wait3A_61] : memref<10008x128xf32, #tpu.memory_space<vmem_shared>> -> memref<632x128xf32, #tpu.memory_space<vmem_shared>>
        tpu.wait_dma2 semaphore(%run_scoped3A_58 : memref<!tpu.dma_semaphore, #tpu.memory_space<semaphore_mem>>) src(%arg4 : memref<632x128xf32, #tpu.memory_space<hbm>>) dst(%dma_wait3A_62 : memref<632x128xf32, #tpu.memory_space<vmem_shared>>)
        tpu.yield
      }) : () -> ()
    } else {
    }
    %eq3A = arith.constant 15 : i32
    %eq3A_5 = arith.cmpi eq, %arg1, %eq3A : i32
    %convert_element_type3A_6 = arith.extui %eq3A_5 : i1 to i32
    %cond3A_7 = arith.constant 0 : i32
    %cond3A_8 = arith.cmpi ne, %convert_element_type3A_6, %cond3A_7 : i32
    scf.if %cond3A_8 {
      "tpu.region"() ({
        %run_scoped3A_56 = tpu.sem_alloc : memref<!tpu.dma_semaphore, #tpu.memory_space<semaphore_mem>>
        %dma_start3A_57 = arith.constant 9480 : i32
        %dma_start3A_58 = arith.constant 0 : i32
        %dma_start3A_59 = tpu.memref_slice %arg6[%dma_start3A_57, %dma_start3A_58] : memref<10008x128xf32, #tpu.memory_space<vmem_shared>> -> memref<528x128xf32, #tpu.memory_space<vmem_shared>>
        %dma_start3A_60 = arith.constant 0 : i32
        %dma_start3A_61 = arith.constant 0 : i32
        %dma_start3A_62 = tpu.memref_slice %arg4[%dma_start3A_60, %dma_start3A_61] : memref<632x128xf32, #tpu.memory_space<hbm>> -> memref<528x128xf32, #tpu.memory_space<hbm>>
        tpu.enqueue_dma source(%dma_start3A_62 : memref<528x128xf32, #tpu.memory_space<hbm>>) target(%dma_start3A_59 : memref<528x128xf32, #tpu.memory_space<vmem_shared>>) target_semaphore(%run_scoped3A_56 : memref<!tpu.dma_semaphore, #tpu.memory_space<semaphore_mem>>)
        %dma_wait3A_63 = arith.constant 9480 : i32
        %dma_wait3A_64 = arith.constant 0 : i32
        %dma_wait3A_65 = tpu.memref_slice %arg6[%dma_wait3A_63, %dma_wait3A_64] : memref<10008x128xf32, #tpu.memory_space<vmem_shared>> -> memref<528x128xf32, #tpu.memory_space<vmem_shared>>
        %dma_wait3A_66 = arith.constant 0 : i32
        %dma_wait3A_67 = arith.constant 0 : i32
        %dma_wait3A_68 = tpu.memref_slice %arg4[%dma_wait3A_66, %dma_wait3A_67] : memref<632x128xf32, #tpu.memory_space<hbm>> -> memref<528x128xf32, #tpu.memory_space<hbm>>
        tpu.wait_dma2 semaphore(%run_scoped3A_56 : memref<!tpu.dma_semaphore, #tpu.memory_space<semaphore_mem>>) src(%dma_wait3A_68 : memref<528x128xf32, #tpu.memory_space<hbm>>) dst(%dma_wait3A_65 : memref<528x128xf32, #tpu.memory_space<vmem_shared>>)
        tpu.yield
      }) : () -> ()
    } else {
    }
    %barrier3A = arith.constant 0 : index
    tpu.barrier barrier_id(%barrier3A)
    %add3A_9 = arith.constant 0 : i32
    %add3A_10 = arith.addi %mul3A_2, %add3A_9 : i32
    "tpu.region"() ({
      %run_scoped3A_56 = tpu.sem_alloc : memref<!tpu.dma_semaphore, #tpu.memory_space<semaphore_mem>>
      %dma_start3A_57 = arith.constant 0 : i32
      %dma_start3A_58 = arith.constant 0 : i32
      %dma_start3A_59 = tpu.memref_slice %arg3[%add3A_10, %dma_start3A_57, %dma_start3A_58] : memref<2560x2x128xi32, #tpu.memory_space<hbm>> -> memref<1x2x128xi32, #tpu.memory_space<hbm>>
      %dma_start3A_60 = tpu.memref_squeeze %dma_start3A_59 : memref<1x2x128xi32, #tpu.memory_space<hbm>> -> memref<2x128xi32, #tpu.memory_space<hbm>>
      %dma_start3A_61 = arith.constant 0 : i32
      %dma_start3A_62 = arith.constant 0 : i32
      %dma_start3A_63 = tpu.memref_slice %arg3[%add3A_10, %dma_start3A_61, %dma_start3A_62] : memref<2560x2x128xi32, #tpu.memory_space<hbm>> -> memref<1x2x128xi32, #tpu.memory_space<hbm>>
      %dma_start3A_64 = tpu.memref_squeeze %dma_start3A_63 : memref<1x2x128xi32, #tpu.memory_space<hbm>> -> memref<2x128xi32, #tpu.memory_space<hbm>>
      tpu.enqueue_dma source(%dma_start3A_64 : memref<2x128xi32, #tpu.memory_space<hbm>>) target(%arg7 : memref<2x128xi32, #tpu.memory_space<vmem>>) target_semaphore(%run_scoped3A_56 : memref<!tpu.dma_semaphore, #tpu.memory_space<semaphore_mem>>)
      %dma_wait3A_65 = arith.constant 0 : i32
      %dma_wait3A_66 = arith.constant 0 : i32
      %dma_wait3A_67 = tpu.memref_slice %arg3[%add3A_10, %dma_wait3A_65, %dma_wait3A_66] : memref<2560x2x128xi32, #tpu.memory_space<hbm>> -> memref<1x2x128xi32, #tpu.memory_space<hbm>>
      %dma_wait3A_68 = tpu.memref_squeeze %dma_wait3A_67 : memref<1x2x128xi32, #tpu.memory_space<hbm>> -> memref<2x128xi32, #tpu.memory_space<hbm>>
      %dma_wait3A_69 = arith.constant 0 : i32
      %dma_wait3A_70 = arith.constant 0 : i32
      %dma_wait3A_71 = tpu.memref_slice %arg3[%add3A_10, %dma_wait3A_69, %dma_wait3A_70] : memref<2560x2x128xi32, #tpu.memory_space<hbm>> -> memref<1x2x128xi32, #tpu.memory_space<hbm>>
      %dma_wait3A_72 = tpu.memref_squeeze %dma_wait3A_71 : memref<1x2x128xi32, #tpu.memory_space<hbm>> -> memref<2x128xi32, #tpu.memory_space<hbm>>
      tpu.wait_dma2 semaphore(%run_scoped3A_56 : memref<!tpu.dma_semaphore, #tpu.memory_space<semaphore_mem>>) src(%dma_wait3A_72 : memref<2x128xi32, #tpu.memory_space<hbm>>) dst(%arg7 : memref<2x128xi32, #tpu.memory_space<vmem>>)
      tpu.yield
    }) : () -> ()
    %add3A_11 = arith.constant 1 : i32
    %add3A_12 = arith.addi %mul3A_2, %add3A_11 : i32
    "tpu.region"() ({
      %run_scoped3A_56 = tpu.sem_alloc : memref<!tpu.dma_semaphore, #tpu.memory_space<semaphore_mem>>
      %dma_start3A_57 = arith.constant 0 : i32
      %dma_start3A_58 = arith.constant 0 : i32
      %dma_start3A_59 = tpu.memref_slice %arg3[%add3A_12, %dma_start3A_57, %dma_start3A_58] : memref<2560x2x128xi32, #tpu.memory_space<hbm>> -> memref<1x2x128xi32, #tpu.memory_space<hbm>>
      %dma_start3A_60 = tpu.memref_squeeze %dma_start3A_59 : memref<1x2x128xi32, #tpu.memory_space<hbm>> -> memref<2x128xi32, #tpu.memory_space<hbm>>
      %dma_start3A_61 = arith.constant 0 : i32
      %dma_start3A_62 = arith.constant 0 : i32
      %dma_start3A_63 = tpu.memref_slice %arg3[%add3A_12, %dma_start3A_61, %dma_start3A_62] : memref<2560x2x128xi32, #tpu.memory_space<hbm>> -> memref<1x2x128xi32, #tpu.memory_space<hbm>>
      %dma_start3A_64 = tpu.memref_squeeze %dma_start3A_63 : memref<1x2x128xi32, #tpu.memory_space<hbm>> -> memref<2x128xi32, #tpu.memory_space<hbm>>
      tpu.enqueue_dma source(%dma_start3A_64 : memref<2x128xi32, #tpu.memory_space<hbm>>) target(%arg8 : memref<2x128xi32, #tpu.memory_space<vmem>>) target_semaphore(%run_scoped3A_56 : memref<!tpu.dma_semaphore, #tpu.memory_space<semaphore_mem>>)
      %dma_wait3A_65 = arith.constant 0 : i32
      %dma_wait3A_66 = arith.constant 0 : i32
      %dma_wait3A_67 = tpu.memref_slice %arg3[%add3A_12, %dma_wait3A_65, %dma_wait3A_66] : memref<2560x2x128xi32, #tpu.memory_space<hbm>> -> memref<1x2x128xi32, #tpu.memory_space<hbm>>
      %dma_wait3A_68 = tpu.memref_squeeze %dma_wait3A_67 : memref<1x2x128xi32, #tpu.memory_space<hbm>> -> memref<2x128xi32, #tpu.memory_space<hbm>>
      %dma_wait3A_69 = arith.constant 0 : i32
      %dma_wait3A_70 = arith.constant 0 : i32
      %dma_wait3A_71 = tpu.memref_slice %arg3[%add3A_12, %dma_wait3A_69, %dma_wait3A_70] : memref<2560x2x128xi32, #tpu.memory_space<hbm>> -> memref<1x2x128xi32, #tpu.memory_space<hbm>>
      %dma_wait3A_72 = tpu.memref_squeeze %dma_wait3A_71 : memref<1x2x128xi32, #tpu.memory_space<hbm>> -> memref<2x128xi32, #tpu.memory_space<hbm>>
      tpu.wait_dma2 semaphore(%run_scoped3A_56 : memref<!tpu.dma_semaphore, #tpu.memory_space<semaphore_mem>>) src(%dma_wait3A_72 : memref<2x128xi32, #tpu.memory_space<hbm>>) dst(%arg8 : memref<2x128xi32, #tpu.memory_space<vmem>>)
      tpu.yield
    }) : () -> ()
    %dma_start3A = arith.constant 0 : i32
    %dma_start3A_13 = arith.constant 0 : i32
    %dma_start3A_14 = tpu.memref_slice %arg7[%dma_start3A, %dma_start3A_13] : memref<2x128xi32, #tpu.memory_space<vmem>> -> memref<1x128xi32, #tpu.memory_space<vmem>>
    %dma_start3A_15 = tpu.memref_squeeze %dma_start3A_14 : memref<1x128xi32, #tpu.memory_space<vmem>> -> memref<128xi32, #tpu.memory_space<vmem>>
    %dma_start3A_16 = arith.constant 0 : i32
    %dma_start3A_17 = arith.constant 0 : i32
    %dma_start3A_18 = tpu.memref_slice %arg2[%dma_start3A_16, %dma_start3A_17] : memref<10000x128xf32, #tpu.memory_space<hbm>> -> memref<10000x128xf32, #tpu.memory_space<hbm>>
    tpu.enqueue_indirect_dma source(%dma_start3A_18 : memref<10000x128xf32, #tpu.memory_space<hbm>>) target(%arg9 : memref<128x128xf32, #tpu.memory_space<vmem>>) offsets(%dma_start3A_15 : memref<128xi32, #tpu.memory_space<vmem>>) semaphore(%arg11 : memref<!tpu.dma_semaphore, #tpu.memory_space<semaphore_mem>>)
    %dma_start3A_19 = arith.constant 0 : i32
    %dma_start3A_20 = arith.constant 0 : i32
    %dma_start3A_21 = tpu.memref_slice %arg8[%dma_start3A_19, %dma_start3A_20] : memref<2x128xi32, #tpu.memory_space<vmem>> -> memref<1x128xi32, #tpu.memory_space<vmem>>
    %dma_start3A_22 = tpu.memref_squeeze %dma_start3A_21 : memref<1x128xi32, #tpu.memory_space<vmem>> -> memref<128xi32, #tpu.memory_space<vmem>>
    %dma_start3A_23 = arith.constant 0 : i32
    %dma_start3A_24 = arith.constant 0 : i32
    %dma_start3A_25 = tpu.memref_slice %arg2[%dma_start3A_23, %dma_start3A_24] : memref<10000x128xf32, #tpu.memory_space<hbm>> -> memref<10000x128xf32, #tpu.memory_space<hbm>>
    tpu.enqueue_indirect_dma source(%dma_start3A_25 : memref<10000x128xf32, #tpu.memory_space<hbm>>) target(%arg10 : memref<128x128xf32, #tpu.memory_space<vmem>>) offsets(%dma_start3A_22 : memref<128xi32, #tpu.memory_space<vmem>>) semaphore(%arg12 : memref<!tpu.dma_semaphore, #tpu.memory_space<semaphore_mem>>)
    %scan3A = arith.constant 0 : i32
    %scan3A_26 = arith.constant 0 : i32
    %scan3A_27 = arith.constant 39 : i32
    %scan3A_28 = arith.addi %scan3A_26, %scan3A_27 : i32
    %scan3A_29 = arith.constant 1 : i32
    scf.for %scan3A_56 = %scan3A_26 to %scan3A_28 step %scan3A_29  : i32 {
      %mul3A_57 = arith.constant 2 : i32
      %mul3A_58 = arith.muli %mul3A_57, %scan3A_56 : i32
      %dma_wait3A_59 = arith.constant 0 : i32
      %dma_wait3A_60 = arith.constant 0 : i32
      %dma_wait3A_61 = tpu.memref_slice %arg7[%dma_wait3A_59, %dma_wait3A_60] : memref<2x128xi32, #tpu.memory_space<vmem>> -> memref<1x128xi32, #tpu.memory_space<vmem>>
      %dma_wait3A_62 = tpu.memref_squeeze %dma_wait3A_61 : memref<1x128xi32, #tpu.memory_space<vmem>> -> memref<128xi32, #tpu.memory_space<vmem>>
      %dma_wait3A_63 = arith.constant 0 : i32
      %dma_wait3A_64 = arith.constant 0 : i32
      %dma_wait3A_65 = tpu.memref_slice %arg2[%dma_wait3A_63, %dma_wait3A_64] : memref<10000x128xf32, #tpu.memory_space<hbm>> -> memref<10000x128xf32, #tpu.memory_space<hbm>>
      tpu.wait_indirect_dma semaphore(%arg11 : memref<!tpu.dma_semaphore, #tpu.memory_space<semaphore_mem>>) src(%dma_wait3A_65 : memref<10000x128xf32, #tpu.memory_space<hbm>>) dst(%arg9 : memref<128x128xf32, #tpu.memory_space<vmem>>)
      %run_scoped3A_66 = arith.constant 1 : i32
      "tpu.region"() ({
        %run_scoped3A_95 = tpu.sem_alloc : memref<!tpu.dma_semaphore, #tpu.memory_space<semaphore_mem>>
        %dma_start3A_96 = arith.constant 0 : i32
        %dma_start3A_97 = tpu.memref_slice %arg7[%run_scoped3A_66, %dma_start3A_96] : memref<2x128xi32, #tpu.memory_space<vmem>> -> memref<1x128xi32, #tpu.memory_space<vmem>>
        %dma_start3A_98 = tpu.memref_squeeze %dma_start3A_97 : memref<1x128xi32, #tpu.memory_space<vmem>> -> memref<128xi32, #tpu.memory_space<vmem>>
        %dma_start3A_99 = arith.constant 0 : i32
        %dma_start3A_100 = arith.constant 0 : i32
        %dma_start3A_101 = tpu.memref_slice %arg6[%dma_start3A_99, %dma_start3A_100] : memref<10008x128xf32, #tpu.memory_space<vmem_shared>> -> memref<10008x128xf32, #tpu.memory_space<vmem_shared>>
        tpu.enqueue_indirect_dma source(%arg9 : memref<128x128xf32, #tpu.memory_space<vmem>>) target(%dma_start3A_101 : memref<10008x128xf32, #tpu.memory_space<vmem_shared>>) offsets(%dma_start3A_98 : memref<128xi32, #tpu.memory_space<vmem>>) semaphore(%run_scoped3A_95 : memref<!tpu.dma_semaphore, #tpu.memory_space<semaphore_mem>>) {add = true}
        %dma_wait3A_102 = arith.constant 0 : i32
        %dma_wait3A_103 = tpu.memref_slice %arg7[%run_scoped3A_66, %dma_wait3A_102] : memref<2x128xi32, #tpu.memory_space<vmem>> -> memref<1x128xi32, #tpu.memory_space<vmem>>
        %dma_wait3A_104 = tpu.memref_squeeze %dma_wait3A_103 : memref<1x128xi32, #tpu.memory_space<vmem>> -> memref<128xi32, #tpu.memory_space<vmem>>
        %dma_wait3A_105 = arith.constant 0 : i32
        %dma_wait3A_106 = arith.constant 0 : i32
        %dma_wait3A_107 = tpu.memref_slice %arg6[%dma_wait3A_105, %dma_wait3A_106] : memref<10008x128xf32, #tpu.memory_space<vmem_shared>> -> memref<10008x128xf32, #tpu.memory_space<vmem_shared>>
        tpu.wait_indirect_dma semaphore(%run_scoped3A_95 : memref<!tpu.dma_semaphore, #tpu.memory_space<semaphore_mem>>) src(%arg9 : memref<128x128xf32, #tpu.memory_space<vmem>>) dst(%dma_wait3A_107 : memref<10008x128xf32, #tpu.memory_space<vmem_shared>>)
        tpu.yield
      }) : () -> ()
      %add3A_67 = arith.constant 2 : i32
      %add3A_68 = arith.addi %mul3A_58, %add3A_67 : i32
      %add3A_69 = arith.addi %mul3A_2, %add3A_68 : i32
      "tpu.region"() ({
        %run_scoped3A_95 = tpu.sem_alloc : memref<!tpu.dma_semaphore, #tpu.memory_space<semaphore_mem>>
        %dma_start3A_96 = arith.constant 0 : i32
        %dma_start3A_97 = arith.constant 0 : i32
        %dma_start3A_98 = tpu.memref_slice %arg3[%add3A_69, %dma_start3A_96, %dma_start3A_97] : memref<2560x2x128xi32, #tpu.memory_space<hbm>> -> memref<1x2x128xi32, #tpu.memory_space<hbm>>
        %dma_start3A_99 = tpu.memref_squeeze %dma_start3A_98 : memref<1x2x128xi32, #tpu.memory_space<hbm>> -> memref<2x128xi32, #tpu.memory_space<hbm>>
        %dma_start3A_100 = arith.constant 0 : i32
        %dma_start3A_101 = arith.constant 0 : i32
        %dma_start3A_102 = tpu.memref_slice %arg3[%add3A_69, %dma_start3A_100, %dma_start3A_101] : memref<2560x2x128xi32, #tpu.memory_space<hbm>> -> memref<1x2x128xi32, #tpu.memory_space<hbm>>
        %dma_start3A_103 = tpu.memref_squeeze %dma_start3A_102 : memref<1x2x128xi32, #tpu.memory_space<hbm>> -> memref<2x128xi32, #tpu.memory_space<hbm>>
        tpu.enqueue_dma source(%dma_start3A_103 : memref<2x128xi32, #tpu.memory_space<hbm>>) target(%arg7 : memref<2x128xi32, #tpu.memory_space<vmem>>) target_semaphore(%run_scoped3A_95 : memref<!tpu.dma_semaphore, #tpu.memory_space<semaphore_mem>>)
        %dma_wait3A_104 = arith.constant 0 : i32
        %dma_wait3A_105 = arith.constant 0 : i32
        %dma_wait3A_106 = tpu.memref_slice %arg3[%add3A_69, %dma_wait3A_104, %dma_wait3A_105] : memref<2560x2x128xi32, #tpu.memory_space<hbm>> -> memref<1x2x128xi32, #tpu.memory_space<hbm>>
        %dma_wait3A_107 = tpu.memref_squeeze %dma_wait3A_106 : memref<1x2x128xi32, #tpu.memory_space<hbm>> -> memref<2x128xi32, #tpu.memory_space<hbm>>
        %dma_wait3A_108 = arith.constant 0 : i32
        %dma_wait3A_109 = arith.constant 0 : i32
        %dma_wait3A_110 = tpu.memref_slice %arg3[%add3A_69, %dma_wait3A_108, %dma_wait3A_109] : memref<2560x2x128xi32, #tpu.memory_space<hbm>> -> memref<1x2x128xi32, #tpu.memory_space<hbm>>
        %dma_wait3A_111 = tpu.memref_squeeze %dma_wait3A_110 : memref<1x2x128xi32, #tpu.memory_space<hbm>> -> memref<2x128xi32, #tpu.memory_space<hbm>>
        tpu.wait_dma2 semaphore(%run_scoped3A_95 : memref<!tpu.dma_semaphore, #tpu.memory_space<semaphore_mem>>) src(%dma_wait3A_111 : memref<2x128xi32, #tpu.memory_space<hbm>>) dst(%arg7 : memref<2x128xi32, #tpu.memory_space<vmem>>)
        tpu.yield
      }) : () -> ()
      %dma_start3A_70 = arith.constant 0 : i32
      %dma_start3A_71 = arith.constant 0 : i32
      %dma_start3A_72 = tpu.memref_slice %arg7[%dma_start3A_70, %dma_start3A_71] : memref<2x128xi32, #tpu.memory_space<vmem>> -> memref<1x128xi32, #tpu.memory_space<vmem>>
      %dma_start3A_73 = tpu.memref_squeeze %dma_start3A_72 : memref<1x128xi32, #tpu.memory_space<vmem>> -> memref<128xi32, #tpu.memory_space<vmem>>
      %dma_start3A_74 = arith.constant 0 : i32
      %dma_start3A_75 = arith.constant 0 : i32
      %dma_start3A_76 = tpu.memref_slice %arg2[%dma_start3A_74, %dma_start3A_75] : memref<10000x128xf32, #tpu.memory_space<hbm>> -> memref<10000x128xf32, #tpu.memory_space<hbm>>
      tpu.enqueue_indirect_dma source(%dma_start3A_76 : memref<10000x128xf32, #tpu.memory_space<hbm>>) target(%arg9 : memref<128x128xf32, #tpu.memory_space<vmem>>) offsets(%dma_start3A_73 : memref<128xi32, #tpu.memory_space<vmem>>) semaphore(%arg11 : memref<!tpu.dma_semaphore, #tpu.memory_space<semaphore_mem>>)
      %dma_wait3A_77 = arith.constant 0 : i32
      %dma_wait3A_78 = arith.constant 0 : i32
      %dma_wait3A_79 = tpu.memref_slice %arg8[%dma_wait3A_77, %dma_wait3A_78] : memref<2x128xi32, #tpu.memory_space<vmem>> -> memref<1x128xi32, #tpu.memory_space<vmem>>
      %dma_wait3A_80 = tpu.memref_squeeze %dma_wait3A_79 : memref<1x128xi32, #tpu.memory_space<vmem>> -> memref<128xi32, #tpu.memory_space<vmem>>
      %dma_wait3A_81 = arith.constant 0 : i32
      %dma_wait3A_82 = arith.constant 0 : i32
      %dma_wait3A_83 = tpu.memref_slice %arg2[%dma_wait3A_81, %dma_wait3A_82] : memref<10000x128xf32, #tpu.memory_space<hbm>> -> memref<10000x128xf32, #tpu.memory_space<hbm>>
      tpu.wait_indirect_dma semaphore(%arg12 : memref<!tpu.dma_semaphore, #tpu.memory_space<semaphore_mem>>) src(%dma_wait3A_83 : memref<10000x128xf32, #tpu.memory_space<hbm>>) dst(%arg10 : memref<128x128xf32, #tpu.memory_space<vmem>>)
      %run_scoped3A_84 = arith.constant 1 : i32
      "tpu.region"() ({
        %run_scoped3A_95 = tpu.sem_alloc : memref<!tpu.dma_semaphore, #tpu.memory_space<semaphore_mem>>
        %dma_start3A_96 = arith.constant 0 : i32
        %dma_start3A_97 = tpu.memref_slice %arg8[%run_scoped3A_84, %dma_start3A_96] : memref<2x128xi32, #tpu.memory_space<vmem>> -> memref<1x128xi32, #tpu.memory_space<vmem>>
        %dma_start3A_98 = tpu.memref_squeeze %dma_start3A_97 : memref<1x128xi32, #tpu.memory_space<vmem>> -> memref<128xi32, #tpu.memory_space<vmem>>
        %dma_start3A_99 = arith.constant 0 : i32
        %dma_start3A_100 = arith.constant 0 : i32
        %dma_start3A_101 = tpu.memref_slice %arg6[%dma_start3A_99, %dma_start3A_100] : memref<10008x128xf32, #tpu.memory_space<vmem_shared>> -> memref<10008x128xf32, #tpu.memory_space<vmem_shared>>
        tpu.enqueue_indirect_dma source(%arg10 : memref<128x128xf32, #tpu.memory_space<vmem>>) target(%dma_start3A_101 : memref<10008x128xf32, #tpu.memory_space<vmem_shared>>) offsets(%dma_start3A_98 : memref<128xi32, #tpu.memory_space<vmem>>) semaphore(%run_scoped3A_95 : memref<!tpu.dma_semaphore, #tpu.memory_space<semaphore_mem>>) {add = true}
        %dma_wait3A_102 = arith.constant 0 : i32
        %dma_wait3A_103 = tpu.memref_slice %arg8[%run_scoped3A_84, %dma_wait3A_102] : memref<2x128xi32, #tpu.memory_space<vmem>> -> memref<1x128xi32, #tpu.memory_space<vmem>>
        %dma_wait3A_104 = tpu.memref_squeeze %dma_wait3A_103 : memref<1x128xi32, #tpu.memory_space<vmem>> -> memref<128xi32, #tpu.memory_space<vmem>>
        %dma_wait3A_105 = arith.constant 0 : i32
        %dma_wait3A_106 = arith.constant 0 : i32
        %dma_wait3A_107 = tpu.memref_slice %arg6[%dma_wait3A_105, %dma_wait3A_106] : memref<10008x128xf32, #tpu.memory_space<vmem_shared>> -> memref<10008x128xf32, #tpu.memory_space<vmem_shared>>
        tpu.wait_indirect_dma semaphore(%run_scoped3A_95 : memref<!tpu.dma_semaphore, #tpu.memory_space<semaphore_mem>>) src(%arg10 : memref<128x128xf32, #tpu.memory_space<vmem>>) dst(%dma_wait3A_107 : memref<10008x128xf32, #tpu.memory_space<vmem_shared>>)
        tpu.yield
      }) : () -> ()
      %add3A_85 = arith.constant 3 : i32
      %add3A_86 = arith.addi %mul3A_58, %add3A_85 : i32
      %add3A_87 = arith.addi %mul3A_2, %add3A_86 : i32
      "tpu.region"() ({
        %run_scoped3A_95 = tpu.sem_alloc : memref<!tpu.dma_semaphore, #tpu.memory_space<semaphore_mem>>
        %dma_start3A_96 = arith.constant 0 : i32
        %dma_start3A_97 = arith.constant 0 : i32
        %dma_start3A_98 = tpu.memref_slice %arg3[%add3A_87, %dma_start3A_96, %dma_start3A_97] : memref<2560x2x128xi32, #tpu.memory_space<hbm>> -> memref<1x2x128xi32, #tpu.memory_space<hbm>>
        %dma_start3A_99 = tpu.memref_squeeze %dma_start3A_98 : memref<1x2x128xi32, #tpu.memory_space<hbm>> -> memref<2x128xi32, #tpu.memory_space<hbm>>
        %dma_start3A_100 = arith.constant 0 : i32
        %dma_start3A_101 = arith.constant 0 : i32
        %dma_start3A_102 = tpu.memref_slice %arg3[%add3A_87, %dma_start3A_100, %dma_start3A_101] : memref<2560x2x128xi32, #tpu.memory_space<hbm>> -> memref<1x2x128xi32, #tpu.memory_space<hbm>>
        %dma_start3A_103 = tpu.memref_squeeze %dma_start3A_102 : memref<1x2x128xi32, #tpu.memory_space<hbm>> -> memref<2x128xi32, #tpu.memory_space<hbm>>
        tpu.enqueue_dma source(%dma_start3A_103 : memref<2x128xi32, #tpu.memory_space<hbm>>) target(%arg8 : memref<2x128xi32, #tpu.memory_space<vmem>>) target_semaphore(%run_scoped3A_95 : memref<!tpu.dma_semaphore, #tpu.memory_space<semaphore_mem>>)
        %dma_wait3A_104 = arith.constant 0 : i32
        %dma_wait3A_105 = arith.constant 0 : i32
        %dma_wait3A_106 = tpu.memref_slice %arg3[%add3A_87, %dma_wait3A_104, %dma_wait3A_105] : memref<2560x2x128xi32, #tpu.memory_space<hbm>> -> memref<1x2x128xi32, #tpu.memory_space<hbm>>
        %dma_wait3A_107 = tpu.memref_squeeze %dma_wait3A_106 : memref<1x2x128xi32, #tpu.memory_space<hbm>> -> memref<2x128xi32, #tpu.memory_space<hbm>>
        %dma_wait3A_108 = arith.constant 0 : i32
        %dma_wait3A_109 = arith.constant 0 : i32
        %dma_wait3A_110 = tpu.memref_slice %arg3[%add3A_87, %dma_wait3A_108, %dma_wait3A_109] : memref<2560x2x128xi32, #tpu.memory_space<hbm>> -> memref<1x2x128xi32, #tpu.memory_space<hbm>>
        %dma_wait3A_111 = tpu.memref_squeeze %dma_wait3A_110 : memref<1x2x128xi32, #tpu.memory_space<hbm>> -> memref<2x128xi32, #tpu.memory_space<hbm>>
        tpu.wait_dma2 semaphore(%run_scoped3A_95 : memref<!tpu.dma_semaphore, #tpu.memory_space<semaphore_mem>>) src(%dma_wait3A_111 : memref<2x128xi32, #tpu.memory_space<hbm>>) dst(%arg8 : memref<2x128xi32, #tpu.memory_space<vmem>>)
        tpu.yield
      }) : () -> ()
      %dma_start3A_88 = arith.constant 0 : i32
      %dma_start3A_89 = arith.constant 0 : i32
      %dma_start3A_90 = tpu.memref_slice %arg8[%dma_start3A_88, %dma_start3A_89] : memref<2x128xi32, #tpu.memory_space<vmem>> -> memref<1x128xi32, #tpu.memory_space<vmem>>
      %dma_start3A_91 = tpu.memref_squeeze %dma_start3A_90 : memref<1x128xi32, #tpu.memory_space<vmem>> -> memref<128xi32, #tpu.memory_space<vmem>>
      %dma_start3A_92 = arith.constant 0 : i32
      %dma_start3A_93 = arith.constant 0 : i32
      %dma_start3A_94 = tpu.memref_slice %arg2[%dma_start3A_92, %dma_start3A_93] : memref<10000x128xf32, #tpu.memory_space<hbm>> -> memref<10000x128xf32, #tpu.memory_space<hbm>>
      tpu.enqueue_indirect_dma source(%dma_start3A_94 : memref<10000x128xf32, #tpu.memory_space<hbm>>) target(%arg10 : memref<128x128xf32, #tpu.memory_space<vmem>>) offsets(%dma_start3A_91 : memref<128xi32, #tpu.memory_space<vmem>>) semaphore(%arg12 : memref<!tpu.dma_semaphore, #tpu.memory_space<semaphore_mem>>)
    }
    %scan3A_30 = arith.constant 39 : i32
    %dma_wait3A = arith.constant 0 : i32
    %dma_wait3A_31 = arith.constant 0 : i32
    %dma_wait3A_32 = tpu.memref_slice %arg7[%dma_wait3A, %dma_wait3A_31] : memref<2x128xi32, #tpu.memory_space<vmem>> -> memref<1x128xi32, #tpu.memory_space<vmem>>
    %dma_wait3A_33 = tpu.memref_squeeze %dma_wait3A_32 : memref<1x128xi32, #tpu.memory_space<vmem>> -> memref<128xi32, #tpu.memory_space<vmem>>
    %dma_wait3A_34 = arith.constant 0 : i32
    %dma_wait3A_35 = arith.constant 0 : i32
    %dma_wait3A_36 = tpu.memref_slice %arg2[%dma_wait3A_34, %dma_wait3A_35] : memref<10000x128xf32, #tpu.memory_space<hbm>> -> memref<10000x128xf32, #tpu.memory_space<hbm>>
    tpu.wait_indirect_dma semaphore(%arg11 : memref<!tpu.dma_semaphore, #tpu.memory_space<semaphore_mem>>) src(%dma_wait3A_36 : memref<10000x128xf32, #tpu.memory_space<hbm>>) dst(%arg9 : memref<128x128xf32, #tpu.memory_space<vmem>>)
    %run_scoped3A = arith.constant 1 : i32
    "tpu.region"() ({
      %run_scoped3A_56 = tpu.sem_alloc : memref<!tpu.dma_semaphore, #tpu.memory_space<semaphore_mem>>
      %dma_start3A_57 = arith.constant 0 : i32
      %dma_start3A_58 = tpu.memref_slice %arg7[%run_scoped3A, %dma_start3A_57] : memref<2x128xi32, #tpu.memory_space<vmem>> -> memref<1x128xi32, #tpu.memory_space<vmem>>
      %dma_start3A_59 = tpu.memref_squeeze %dma_start3A_58 : memref<1x128xi32, #tpu.memory_space<vmem>> -> memref<128xi32, #tpu.memory_space<vmem>>
      %dma_start3A_60 = arith.constant 0 : i32
      %dma_start3A_61 = arith.constant 0 : i32
      %dma_start3A_62 = tpu.memref_slice %arg6[%dma_start3A_60, %dma_start3A_61] : memref<10008x128xf32, #tpu.memory_space<vmem_shared>> -> memref<10008x128xf32, #tpu.memory_space<vmem_shared>>
      tpu.enqueue_indirect_dma source(%arg9 : memref<128x128xf32, #tpu.memory_space<vmem>>) target(%dma_start3A_62 : memref<10008x128xf32, #tpu.memory_space<vmem_shared>>) offsets(%dma_start3A_59 : memref<128xi32, #tpu.memory_space<vmem>>) semaphore(%run_scoped3A_56 : memref<!tpu.dma_semaphore, #tpu.memory_space<semaphore_mem>>) {add = true}
      %dma_wait3A_63 = arith.constant 0 : i32
      %dma_wait3A_64 = tpu.memref_slice %arg7[%run_scoped3A, %dma_wait3A_63] : memref<2x128xi32, #tpu.memory_space<vmem>> -> memref<1x128xi32, #tpu.memory_space<vmem>>
      %dma_wait3A_65 = tpu.memref_squeeze %dma_wait3A_64 : memref<1x128xi32, #tpu.memory_space<vmem>> -> memref<128xi32, #tpu.memory_space<vmem>>
      %dma_wait3A_66 = arith.constant 0 : i32
      %dma_wait3A_67 = arith.constant 0 : i32
      %dma_wait3A_68 = tpu.memref_slice %arg6[%dma_wait3A_66, %dma_wait3A_67] : memref<10008x128xf32, #tpu.memory_space<vmem_shared>> -> memref<10008x128xf32, #tpu.memory_space<vmem_shared>>
      tpu.wait_indirect_dma semaphore(%run_scoped3A_56 : memref<!tpu.dma_semaphore, #tpu.memory_space<semaphore_mem>>) src(%arg9 : memref<128x128xf32, #tpu.memory_space<vmem>>) dst(%dma_wait3A_68 : memref<10008x128xf32, #tpu.memory_space<vmem_shared>>)
      tpu.yield
    }) : () -> ()
    %dma_wait3A_37 = arith.constant 0 : i32
    %dma_wait3A_38 = arith.constant 0 : i32
    %dma_wait3A_39 = tpu.memref_slice %arg8[%dma_wait3A_37, %dma_wait3A_38] : memref<2x128xi32, #tpu.memory_space<vmem>> -> memref<1x128xi32, #tpu.memory_space<vmem>>
    %dma_wait3A_40 = tpu.memref_squeeze %dma_wait3A_39 : memref<1x128xi32, #tpu.memory_space<vmem>> -> memref<128xi32, #tpu.memory_space<vmem>>
    %dma_wait3A_41 = arith.constant 0 : i32
    %dma_wait3A_42 = arith.constant 0 : i32
    %dma_wait3A_43 = tpu.memref_slice %arg2[%dma_wait3A_41, %dma_wait3A_42] : memref<10000x128xf32, #tpu.memory_space<hbm>> -> memref<10000x128xf32, #tpu.memory_space<hbm>>
    tpu.wait_indirect_dma semaphore(%arg12 : memref<!tpu.dma_semaphore, #tpu.memory_space<semaphore_mem>>) src(%dma_wait3A_43 : memref<10000x128xf32, #tpu.memory_space<hbm>>) dst(%arg10 : memref<128x128xf32, #tpu.memory_space<vmem>>)
    %run_scoped3A_44 = arith.constant 1 : i32
    "tpu.region"() ({
      %run_scoped3A_56 = tpu.sem_alloc : memref<!tpu.dma_semaphore, #tpu.memory_space<semaphore_mem>>
      %dma_start3A_57 = arith.constant 0 : i32
      %dma_start3A_58 = tpu.memref_slice %arg8[%run_scoped3A_44, %dma_start3A_57] : memref<2x128xi32, #tpu.memory_space<vmem>> -> memref<1x128xi32, #tpu.memory_space<vmem>>
      %dma_start3A_59 = tpu.memref_squeeze %dma_start3A_58 : memref<1x128xi32, #tpu.memory_space<vmem>> -> memref<128xi32, #tpu.memory_space<vmem>>
      %dma_start3A_60 = arith.constant 0 : i32
      %dma_start3A_61 = arith.constant 0 : i32
      %dma_start3A_62 = tpu.memref_slice %arg6[%dma_start3A_60, %dma_start3A_61] : memref<10008x128xf32, #tpu.memory_space<vmem_shared>> -> memref<10008x128xf32, #tpu.memory_space<vmem_shared>>
      tpu.enqueue_indirect_dma source(%arg10 : memref<128x128xf32, #tpu.memory_space<vmem>>) target(%dma_start3A_62 : memref<10008x128xf32, #tpu.memory_space<vmem_shared>>) offsets(%dma_start3A_59 : memref<128xi32, #tpu.memory_space<vmem>>) semaphore(%run_scoped3A_56 : memref<!tpu.dma_semaphore, #tpu.memory_space<semaphore_mem>>) {add = true}
      %dma_wait3A_63 = arith.constant 0 : i32
      %dma_wait3A_64 = tpu.memref_slice %arg8[%run_scoped3A_44, %dma_wait3A_63] : memref<2x128xi32, #tpu.memory_space<vmem>> -> memref<1x128xi32, #tpu.memory_space<vmem>>
      %dma_wait3A_65 = tpu.memref_squeeze %dma_wait3A_64 : memref<1x128xi32, #tpu.memory_space<vmem>> -> memref<128xi32, #tpu.memory_space<vmem>>
      %dma_wait3A_66 = arith.constant 0 : i32
      %dma_wait3A_67 = arith.constant 0 : i32
      %dma_wait3A_68 = tpu.memref_slice %arg6[%dma_wait3A_66, %dma_wait3A_67] : memref<10008x128xf32, #tpu.memory_space<vmem_shared>> -> memref<10008x128xf32, #tpu.memory_space<vmem_shared>>
      tpu.wait_indirect_dma semaphore(%run_scoped3A_56 : memref<!tpu.dma_semaphore, #tpu.memory_space<semaphore_mem>>) src(%arg10 : memref<128x128xf32, #tpu.memory_space<vmem>>) dst(%dma_wait3A_68 : memref<10008x128xf32, #tpu.memory_space<vmem_shared>>)
      tpu.yield
    }) : () -> ()
    %barrier3A_45 = arith.constant 0 : index
    tpu.barrier barrier_id(%barrier3A_45)
    %lt3A_46 = arith.constant 15 : i32
    %lt3A_47 = arith.cmpi slt, %arg1, %lt3A_46 : i32
    %convert_element_type3A_48 = arith.extui %lt3A_47 : i1 to i32
    %cond3A_49 = arith.constant 0 : i32
    %cond3A_50 = arith.cmpi ne, %convert_element_type3A_48, %cond3A_49 : i32
    scf.if %cond3A_50 {
      %mul3A_56 = arith.constant 632 : i32
      %mul3A_57 = arith.muli %arg1, %mul3A_56 : i32
      %mul3A_58 = arith.constant 632 : i32
      %mul3A_59 = arith.muli %arg1, %mul3A_58 : i32
      "tpu.region"() ({
        %run_scoped3A_60 = tpu.sem_alloc : memref<!tpu.dma_semaphore, #tpu.memory_space<semaphore_mem>>
        %dma_start3A_61 = arith.constant 0 : i32
        %dma_start3A_62 = tpu.memref_slice %arg5[%arg0, %mul3A_59, %dma_start3A_61] : memref<2x10008x128xf32, #tpu.memory_space<hbm>> -> memref<1x632x128xf32, #tpu.memory_space<hbm>>
        %dma_start3A_63 = tpu.memref_squeeze %dma_start3A_62 : memref<1x632x128xf32, #tpu.memory_space<hbm>> -> memref<632x128xf32, #tpu.memory_space<hbm>>
        %dma_start3A_64 = arith.constant 0 : i32
        %dma_start3A_65 = tpu.memref_slice %arg6[%mul3A_57, %dma_start3A_64] : memref<10008x128xf32, #tpu.memory_space<vmem_shared>> -> memref<632x128xf32, #tpu.memory_space<vmem_shared>>
        tpu.enqueue_dma source(%dma_start3A_65 : memref<632x128xf32, #tpu.memory_space<vmem_shared>>) target(%dma_start3A_63 : memref<632x128xf32, #tpu.memory_space<hbm>>) target_semaphore(%run_scoped3A_60 : memref<!tpu.dma_semaphore, #tpu.memory_space<semaphore_mem>>)
        %dma_wait3A_66 = arith.constant 0 : i32
        %dma_wait3A_67 = tpu.memref_slice %arg5[%arg0, %mul3A_59, %dma_wait3A_66] : memref<2x10008x128xf32, #tpu.memory_space<hbm>> -> memref<1x632x128xf32, #tpu.memory_space<hbm>>
        %dma_wait3A_68 = tpu.memref_squeeze %dma_wait3A_67 : memref<1x632x128xf32, #tpu.memory_space<hbm>> -> memref<632x128xf32, #tpu.memory_space<hbm>>
        %dma_wait3A_69 = arith.constant 0 : i32
        %dma_wait3A_70 = tpu.memref_slice %arg6[%mul3A_57, %dma_wait3A_69] : memref<10008x128xf32, #tpu.memory_space<vmem_shared>> -> memref<632x128xf32, #tpu.memory_space<vmem_shared>>
        tpu.wait_dma2 semaphore(%run_scoped3A_60 : memref<!tpu.dma_semaphore, #tpu.memory_space<semaphore_mem>>) src(%dma_wait3A_70 : memref<632x128xf32, #tpu.memory_space<vmem_shared>>) dst(%dma_wait3A_68 : memref<632x128xf32, #tpu.memory_space<hbm>>)
        tpu.yield
      }) : () -> ()
    } else {
    }
    %eq3A_51 = arith.constant 15 : i32
    %eq3A_52 = arith.cmpi eq, %arg1, %eq3A_51 : i32
    %convert_element_type3A_53 = arith.extui %eq3A_52 : i1 to i32
    %cond3A_54 = arith.constant 0 : i32
    %cond3A_55 = arith.cmpi ne, %convert_element_type3A_53, %cond3A_54 : i32
    scf.if %cond3A_55 {
      "tpu.region"() ({
        %run_scoped3A_56 = tpu.sem_alloc : memref<!tpu.dma_semaphore, #tpu.memory_space<semaphore_mem>>
        %dma_start3A_57 = arith.constant 9480 : i32
        %dma_start3A_58 = arith.constant 0 : i32
        %dma_start3A_59 = tpu.memref_slice %arg5[%arg0, %dma_start3A_57, %dma_start3A_58] : memref<2x10008x128xf32, #tpu.memory_space<hbm>> -> memref<1x528x128xf32, #tpu.memory_space<hbm>>
        %dma_start3A_60 = tpu.memref_squeeze %dma_start3A_59 : memref<1x528x128xf32, #tpu.memory_space<hbm>> -> memref<528x128xf32, #tpu.memory_space<hbm>>
        %dma_start3A_61 = arith.constant 9480 : i32
        %dma_start3A_62 = arith.constant 0 : i32
        %dma_start3A_63 = tpu.memref_slice %arg6[%dma_start3A_61, %dma_start3A_62] : memref<10008x128xf32, #tpu.memory_space<vmem_shared>> -> memref<528x128xf32, #tpu.memory_space<vmem_shared>>
        tpu.enqueue_dma source(%dma_start3A_63 : memref<528x128xf32, #tpu.memory_space<vmem_shared>>) target(%dma_start3A_60 : memref<528x128xf32, #tpu.memory_space<hbm>>) target_semaphore(%run_scoped3A_56 : memref<!tpu.dma_semaphore, #tpu.memory_space<semaphore_mem>>)
        %dma_wait3A_64 = arith.constant 9480 : i32
        %dma_wait3A_65 = arith.constant 0 : i32
        %dma_wait3A_66 = tpu.memref_slice %arg5[%arg0, %dma_wait3A_64, %dma_wait3A_65] : memref<2x10008x128xf32, #tpu.memory_space<hbm>> -> memref<1x528x128xf32, #tpu.memory_space<hbm>>
        %dma_wait3A_67 = tpu.memref_squeeze %dma_wait3A_66 : memref<1x528x128xf32, #tpu.memory_space<hbm>> -> memref<528x128xf32, #tpu.memory_space<hbm>>
        %dma_wait3A_68 = arith.constant 9480 : i32
        %dma_wait3A_69 = arith.constant 0 : i32
        %dma_wait3A_70 = tpu.memref_slice %arg6[%dma_wait3A_68, %dma_wait3A_69] : memref<10008x128xf32, #tpu.memory_space<vmem_shared>> -> memref<528x128xf32, #tpu.memory_space<vmem_shared>>
        tpu.wait_dma2 semaphore(%run_scoped3A_56 : memref<!tpu.dma_semaphore, #tpu.memory_space<semaphore_mem>>) src(%dma_wait3A_70 : memref<528x128xf32, #tpu.memory_space<vmem_shared>>) dst(%dma_wait3A_67 : memref<528x128xf32, #tpu.memory_space<hbm>>)
        tpu.yield
      }) : () -> ()
    } else {
    }
    return
  }
}

#map = affine_map<(d0, d1) -> (0, 0, 0)>
#map1 = affine_map<(d0, d1) -> (0, 0)>
module attributes {stable_mosaic.version = 14 : i64} {
  func.func @deg_kernel(%arg0: i32, %arg1: i32, %arg2: memref<2560x2x128xi32, #tpu.memory_space<hbm>>, %arg3: memref<128x128xf32, #tpu.memory_space<hbm>>, %arg4: memref<632x128xf32, #tpu.memory_space<hbm>>, %arg5: memref<2x10008x128xf32, #tpu.memory_space<hbm>>, %arg6: memref<10008x128xf32, #tpu.memory_space<vmem_shared>>, %arg7: memref<2x128xi32, #tpu.memory_space<vmem>>, %arg8: memref<2x128xi32, #tpu.memory_space<vmem>>, %arg9: memref<128x128xf32, #tpu.memory_space<vmem>>, %arg10: memref<!tpu.dma_semaphore, #tpu.memory_space<semaphore_mem>>, %arg11: memref<!tpu.dma_semaphore, #tpu.memory_space<semaphore_mem>>) attributes {dimension_semantics = [#tpu.dimension_semantics<core_parallel>, #tpu.dimension_semantics<subcore_parallel>], iteration_bounds = array<i64: 2, 16>, scalar_prefetch = 0 : i64, scratch_operands = 6 : i64, tpu.core_type = #tpu.core_type<sc_vector_subcore>, window_params = [{transform_indices = #map}, {transform_indices = #map1}, {transform_indices = #map1}, {transform_indices = #map}]} {
    %mul3A = arith.constant 16 : i32
    %mul3A_0 = arith.muli %arg0, %mul3A : i32
    %add3A = arith.addi %mul3A_0, %arg1 : i32
    %mul3A_1 = arith.constant 80 : i32
    %mul3A_2 = arith.muli %add3A, %mul3A_1 : i32
    %lt3A = arith.constant 15 : i32
    %lt3A_3 = arith.cmpi slt, %arg1, %lt3A : i32
    %convert_element_type3A = arith.extui %lt3A_3 : i1 to i32
    %cond3A = arith.constant 0 : i32
    %cond3A_4 = arith.cmpi ne, %convert_element_type3A, %cond3A : i32
    scf.if %cond3A_4 {
      %mul3A_55 = arith.constant 632 : i32
      %mul3A_56 = arith.muli %arg1, %mul3A_55 : i32
      "tpu.region"() ({
        %run_scoped3A = tpu.sem_alloc : memref<!tpu.dma_semaphore, #tpu.memory_space<semaphore_mem>>
        %dma_start3A_57 = arith.constant 0 : i32
        %dma_start3A_58 = tpu.memref_slice %arg6[%mul3A_56, %dma_start3A_57] : memref<10008x128xf32, #tpu.memory_space<vmem_shared>> -> memref<632x128xf32, #tpu.memory_space<vmem_shared>>
        tpu.enqueue_dma source(%arg4 : memref<632x128xf32, #tpu.memory_space<hbm>>) target(%dma_start3A_58 : memref<632x128xf32, #tpu.memory_space<vmem_shared>>) target_semaphore(%run_scoped3A : memref<!tpu.dma_semaphore, #tpu.memory_space<semaphore_mem>>)
        %dma_wait3A_59 = arith.constant 0 : i32
        %dma_wait3A_60 = tpu.memref_slice %arg6[%mul3A_56, %dma_wait3A_59] : memref<10008x128xf32, #tpu.memory_space<vmem_shared>> -> memref<632x128xf32, #tpu.memory_space<vmem_shared>>
        tpu.wait_dma2 semaphore(%run_scoped3A : memref<!tpu.dma_semaphore, #tpu.memory_space<semaphore_mem>>) src(%arg4 : memref<632x128xf32, #tpu.memory_space<hbm>>) dst(%dma_wait3A_60 : memref<632x128xf32, #tpu.memory_space<vmem_shared>>)
        tpu.yield
      }) : () -> ()
    } else {
    }
    %eq3A = arith.constant 15 : i32
    %eq3A_5 = arith.cmpi eq, %arg1, %eq3A : i32
    %convert_element_type3A_6 = arith.extui %eq3A_5 : i1 to i32
    %cond3A_7 = arith.constant 0 : i32
    %cond3A_8 = arith.cmpi ne, %convert_element_type3A_6, %cond3A_7 : i32
    scf.if %cond3A_8 {
      "tpu.region"() ({
        %run_scoped3A = tpu.sem_alloc : memref<!tpu.dma_semaphore, #tpu.memory_space<semaphore_mem>>
        %dma_start3A_55 = arith.constant 9480 : i32
        %dma_start3A_56 = arith.constant 0 : i32
        %dma_start3A_57 = tpu.memref_slice %arg6[%dma_start3A_55, %dma_start3A_56] : memref<10008x128xf32, #tpu.memory_space<vmem_shared>> -> memref<528x128xf32, #tpu.memory_space<vmem_shared>>
        %dma_start3A_58 = arith.constant 0 : i32
        %dma_start3A_59 = arith.constant 0 : i32
        %dma_start3A_60 = tpu.memref_slice %arg4[%dma_start3A_58, %dma_start3A_59] : memref<632x128xf32, #tpu.memory_space<hbm>> -> memref<528x128xf32, #tpu.memory_space<hbm>>
        tpu.enqueue_dma source(%dma_start3A_60 : memref<528x128xf32, #tpu.memory_space<hbm>>) target(%dma_start3A_57 : memref<528x128xf32, #tpu.memory_space<vmem_shared>>) target_semaphore(%run_scoped3A : memref<!tpu.dma_semaphore, #tpu.memory_space<semaphore_mem>>)
        %dma_wait3A_61 = arith.constant 9480 : i32
        %dma_wait3A_62 = arith.constant 0 : i32
        %dma_wait3A_63 = tpu.memref_slice %arg6[%dma_wait3A_61, %dma_wait3A_62] : memref<10008x128xf32, #tpu.memory_space<vmem_shared>> -> memref<528x128xf32, #tpu.memory_space<vmem_shared>>
        %dma_wait3A_64 = arith.constant 0 : i32
        %dma_wait3A_65 = arith.constant 0 : i32
        %dma_wait3A_66 = tpu.memref_slice %arg4[%dma_wait3A_64, %dma_wait3A_65] : memref<632x128xf32, #tpu.memory_space<hbm>> -> memref<528x128xf32, #tpu.memory_space<hbm>>
        tpu.wait_dma2 semaphore(%run_scoped3A : memref<!tpu.dma_semaphore, #tpu.memory_space<semaphore_mem>>) src(%dma_wait3A_66 : memref<528x128xf32, #tpu.memory_space<hbm>>) dst(%dma_wait3A_63 : memref<528x128xf32, #tpu.memory_space<vmem_shared>>)
        tpu.yield
      }) : () -> ()
    } else {
    }
    "tpu.region"() ({
      %run_scoped3A = tpu.sem_alloc : memref<!tpu.dma_semaphore, #tpu.memory_space<semaphore_mem>>
      tpu.enqueue_dma source(%arg3 : memref<128x128xf32, #tpu.memory_space<hbm>>) target(%arg9 : memref<128x128xf32, #tpu.memory_space<vmem>>) target_semaphore(%run_scoped3A : memref<!tpu.dma_semaphore, #tpu.memory_space<semaphore_mem>>)
      tpu.wait_dma2 semaphore(%run_scoped3A : memref<!tpu.dma_semaphore, #tpu.memory_space<semaphore_mem>>) src(%arg3 : memref<128x128xf32, #tpu.memory_space<hbm>>) dst(%arg9 : memref<128x128xf32, #tpu.memory_space<vmem>>)
      tpu.yield
    }) : () -> ()
    %barrier3A = arith.constant 0 : index
    tpu.barrier barrier_id(%barrier3A)
    %add3A_9 = arith.constant 0 : i32
    %add3A_10 = arith.addi %mul3A_2, %add3A_9 : i32
    "tpu.region"() ({
      %run_scoped3A = tpu.sem_alloc : memref<!tpu.dma_semaphore, #tpu.memory_space<semaphore_mem>>
      %dma_start3A_55 = arith.constant 0 : i32
      %dma_start3A_56 = arith.constant 0 : i32
      %dma_start3A_57 = tpu.memref_slice %arg2[%add3A_10, %dma_start3A_55, %dma_start3A_56] : memref<2560x2x128xi32, #tpu.memory_space<hbm>> -> memref<1x2x128xi32, #tpu.memory_space<hbm>>
      %dma_start3A_58 = tpu.memref_squeeze %dma_start3A_57 : memref<1x2x128xi32, #tpu.memory_space<hbm>> -> memref<2x128xi32, #tpu.memory_space<hbm>>
      %dma_start3A_59 = arith.constant 0 : i32
      %dma_start3A_60 = arith.constant 0 : i32
      %dma_start3A_61 = tpu.memref_slice %arg2[%add3A_10, %dma_start3A_59, %dma_start3A_60] : memref<2560x2x128xi32, #tpu.memory_space<hbm>> -> memref<1x2x128xi32, #tpu.memory_space<hbm>>
      %dma_start3A_62 = tpu.memref_squeeze %dma_start3A_61 : memref<1x2x128xi32, #tpu.memory_space<hbm>> -> memref<2x128xi32, #tpu.memory_space<hbm>>
      tpu.enqueue_dma source(%dma_start3A_62 : memref<2x128xi32, #tpu.memory_space<hbm>>) target(%arg7 : memref<2x128xi32, #tpu.memory_space<vmem>>) target_semaphore(%run_scoped3A : memref<!tpu.dma_semaphore, #tpu.memory_space<semaphore_mem>>)
      %dma_wait3A_63 = arith.constant 0 : i32
      %dma_wait3A_64 = arith.constant 0 : i32
      %dma_wait3A_65 = tpu.memref_slice %arg2[%add3A_10, %dma_wait3A_63, %dma_wait3A_64] : memref<2560x2x128xi32, #tpu.memory_space<hbm>> -> memref<1x2x128xi32, #tpu.memory_space<hbm>>
      %dma_wait3A_66 = tpu.memref_squeeze %dma_wait3A_65 : memref<1x2x128xi32, #tpu.memory_space<hbm>> -> memref<2x128xi32, #tpu.memory_space<hbm>>
      %dma_wait3A_67 = arith.constant 0 : i32
      %dma_wait3A_68 = arith.constant 0 : i32
      %dma_wait3A_69 = tpu.memref_slice %arg2[%add3A_10, %dma_wait3A_67, %dma_wait3A_68] : memref<2560x2x128xi32, #tpu.memory_space<hbm>> -> memref<1x2x128xi32, #tpu.memory_space<hbm>>
      %dma_wait3A_70 = tpu.memref_squeeze %dma_wait3A_69 : memref<1x2x128xi32, #tpu.memory_space<hbm>> -> memref<2x128xi32, #tpu.memory_space<hbm>>
      tpu.wait_dma2 semaphore(%run_scoped3A : memref<!tpu.dma_semaphore, #tpu.memory_space<semaphore_mem>>) src(%dma_wait3A_70 : memref<2x128xi32, #tpu.memory_space<hbm>>) dst(%arg7 : memref<2x128xi32, #tpu.memory_space<vmem>>)
      tpu.yield
    }) : () -> ()
    %add3A_11 = arith.constant 1 : i32
    %add3A_12 = arith.addi %mul3A_2, %add3A_11 : i32
    "tpu.region"() ({
      %run_scoped3A = tpu.sem_alloc : memref<!tpu.dma_semaphore, #tpu.memory_space<semaphore_mem>>
      %dma_start3A_55 = arith.constant 0 : i32
      %dma_start3A_56 = arith.constant 0 : i32
      %dma_start3A_57 = tpu.memref_slice %arg2[%add3A_12, %dma_start3A_55, %dma_start3A_56] : memref<2560x2x128xi32, #tpu.memory_space<hbm>> -> memref<1x2x128xi32, #tpu.memory_space<hbm>>
      %dma_start3A_58 = tpu.memref_squeeze %dma_start3A_57 : memref<1x2x128xi32, #tpu.memory_space<hbm>> -> memref<2x128xi32, #tpu.memory_space<hbm>>
      %dma_start3A_59 = arith.constant 0 : i32
      %dma_start3A_60 = arith.constant 0 : i32
      %dma_start3A_61 = tpu.memref_slice %arg2[%add3A_12, %dma_start3A_59, %dma_start3A_60] : memref<2560x2x128xi32, #tpu.memory_space<hbm>> -> memref<1x2x128xi32, #tpu.memory_space<hbm>>
      %dma_start3A_62 = tpu.memref_squeeze %dma_start3A_61 : memref<1x2x128xi32, #tpu.memory_space<hbm>> -> memref<2x128xi32, #tpu.memory_space<hbm>>
      tpu.enqueue_dma source(%dma_start3A_62 : memref<2x128xi32, #tpu.memory_space<hbm>>) target(%arg8 : memref<2x128xi32, #tpu.memory_space<vmem>>) target_semaphore(%run_scoped3A : memref<!tpu.dma_semaphore, #tpu.memory_space<semaphore_mem>>)
      %dma_wait3A_63 = arith.constant 0 : i32
      %dma_wait3A_64 = arith.constant 0 : i32
      %dma_wait3A_65 = tpu.memref_slice %arg2[%add3A_12, %dma_wait3A_63, %dma_wait3A_64] : memref<2560x2x128xi32, #tpu.memory_space<hbm>> -> memref<1x2x128xi32, #tpu.memory_space<hbm>>
      %dma_wait3A_66 = tpu.memref_squeeze %dma_wait3A_65 : memref<1x2x128xi32, #tpu.memory_space<hbm>> -> memref<2x128xi32, #tpu.memory_space<hbm>>
      %dma_wait3A_67 = arith.constant 0 : i32
      %dma_wait3A_68 = arith.constant 0 : i32
      %dma_wait3A_69 = tpu.memref_slice %arg2[%add3A_12, %dma_wait3A_67, %dma_wait3A_68] : memref<2560x2x128xi32, #tpu.memory_space<hbm>> -> memref<1x2x128xi32, #tpu.memory_space<hbm>>
      %dma_wait3A_70 = tpu.memref_squeeze %dma_wait3A_69 : memref<1x2x128xi32, #tpu.memory_space<hbm>> -> memref<2x128xi32, #tpu.memory_space<hbm>>
      tpu.wait_dma2 semaphore(%run_scoped3A : memref<!tpu.dma_semaphore, #tpu.memory_space<semaphore_mem>>) src(%dma_wait3A_70 : memref<2x128xi32, #tpu.memory_space<hbm>>) dst(%arg8 : memref<2x128xi32, #tpu.memory_space<vmem>>)
      tpu.yield
    }) : () -> ()
    %dma_start3A = arith.constant 1 : i32
    %dma_start3A_13 = arith.constant 0 : i32
    %dma_start3A_14 = tpu.memref_slice %arg7[%dma_start3A, %dma_start3A_13] : memref<2x128xi32, #tpu.memory_space<vmem>> -> memref<1x128xi32, #tpu.memory_space<vmem>>
    %dma_start3A_15 = tpu.memref_squeeze %dma_start3A_14 : memref<1x128xi32, #tpu.memory_space<vmem>> -> memref<128xi32, #tpu.memory_space<vmem>>
    %dma_start3A_16 = arith.constant 0 : i32
    %dma_start3A_17 = arith.constant 0 : i32
    %dma_start3A_18 = tpu.memref_slice %arg6[%dma_start3A_16, %dma_start3A_17] : memref<10008x128xf32, #tpu.memory_space<vmem_shared>> -> memref<10008x128xf32, #tpu.memory_space<vmem_shared>>
    tpu.enqueue_indirect_dma source(%arg9 : memref<128x128xf32, #tpu.memory_space<vmem>>) target(%dma_start3A_18 : memref<10008x128xf32, #tpu.memory_space<vmem_shared>>) offsets(%dma_start3A_15 : memref<128xi32, #tpu.memory_space<vmem>>) semaphore(%arg10 : memref<!tpu.dma_semaphore, #tpu.memory_space<semaphore_mem>>) {add = true}
    %dma_start3A_19 = arith.constant 1 : i32
    %dma_start3A_20 = arith.constant 0 : i32
    %dma_start3A_21 = tpu.memref_slice %arg8[%dma_start3A_19, %dma_start3A_20] : memref<2x128xi32, #tpu.memory_space<vmem>> -> memref<1x128xi32, #tpu.memory_space<vmem>>
    %dma_start3A_22 = tpu.memref_squeeze %dma_start3A_21 : memref<1x128xi32, #tpu.memory_space<vmem>> -> memref<128xi32, #tpu.memory_space<vmem>>
    %dma_start3A_23 = arith.constant 0 : i32
    %dma_start3A_24 = arith.constant 0 : i32
    %dma_start3A_25 = tpu.memref_slice %arg6[%dma_start3A_23, %dma_start3A_24] : memref<10008x128xf32, #tpu.memory_space<vmem_shared>> -> memref<10008x128xf32, #tpu.memory_space<vmem_shared>>
    tpu.enqueue_indirect_dma source(%arg9 : memref<128x128xf32, #tpu.memory_space<vmem>>) target(%dma_start3A_25 : memref<10008x128xf32, #tpu.memory_space<vmem_shared>>) offsets(%dma_start3A_22 : memref<128xi32, #tpu.memory_space<vmem>>) semaphore(%arg11 : memref<!tpu.dma_semaphore, #tpu.memory_space<semaphore_mem>>) {add = true}
    %scan3A = arith.constant 0 : i32
    %scan3A_26 = arith.constant 0 : i32
    %scan3A_27 = arith.constant 39 : i32
    %scan3A_28 = arith.addi %scan3A_26, %scan3A_27 : i32
    %scan3A_29 = arith.constant 1 : i32
    scf.for %scan3A_55 = %scan3A_26 to %scan3A_28 step %scan3A_29  : i32 {
      %mul3A_56 = arith.constant 2 : i32
      %mul3A_57 = arith.muli %mul3A_56, %scan3A_55 : i32
      %dma_wait3A_58 = arith.constant 1 : i32
      %dma_wait3A_59 = arith.constant 0 : i32
      %dma_wait3A_60 = tpu.memref_slice %arg7[%dma_wait3A_58, %dma_wait3A_59] : memref<2x128xi32, #tpu.memory_space<vmem>> -> memref<1x128xi32, #tpu.memory_space<vmem>>
      %dma_wait3A_61 = tpu.memref_squeeze %dma_wait3A_60 : memref<1x128xi32, #tpu.memory_space<vmem>> -> memref<128xi32, #tpu.memory_space<vmem>>
      %dma_wait3A_62 = arith.constant 0 : i32
      %dma_wait3A_63 = arith.constant 0 : i32
      %dma_wait3A_64 = tpu.memref_slice %arg6[%dma_wait3A_62, %dma_wait3A_63] : memref<10008x128xf32, #tpu.memory_space<vmem_shared>> -> memref<10008x128xf32, #tpu.memory_space<vmem_shared>>
      tpu.wait_indirect_dma semaphore(%arg10 : memref<!tpu.dma_semaphore, #tpu.memory_space<semaphore_mem>>) src(%arg9 : memref<128x128xf32, #tpu.memory_space<vmem>>) dst(%dma_wait3A_64 : memref<10008x128xf32, #tpu.memory_space<vmem_shared>>)
      %add3A_65 = arith.constant 2 : i32
      %add3A_66 = arith.addi %mul3A_57, %add3A_65 : i32
      %add3A_67 = arith.addi %mul3A_2, %add3A_66 : i32
      "tpu.region"() ({
        %run_scoped3A = tpu.sem_alloc : memref<!tpu.dma_semaphore, #tpu.memory_space<semaphore_mem>>
        %dma_start3A_92 = arith.constant 0 : i32
        %dma_start3A_93 = arith.constant 0 : i32
        %dma_start3A_94 = tpu.memref_slice %arg2[%add3A_67, %dma_start3A_92, %dma_start3A_93] : memref<2560x2x128xi32, #tpu.memory_space<hbm>> -> memref<1x2x128xi32, #tpu.memory_space<hbm>>
        %dma_start3A_95 = tpu.memref_squeeze %dma_start3A_94 : memref<1x2x128xi32, #tpu.memory_space<hbm>> -> memref<2x128xi32, #tpu.memory_space<hbm>>
        %dma_start3A_96 = arith.constant 0 : i32
        %dma_start3A_97 = arith.constant 0 : i32
        %dma_start3A_98 = tpu.memref_slice %arg2[%add3A_67, %dma_start3A_96, %dma_start3A_97] : memref<2560x2x128xi32, #tpu.memory_space<hbm>> -> memref<1x2x128xi32, #tpu.memory_space<hbm>>
        %dma_start3A_99 = tpu.memref_squeeze %dma_start3A_98 : memref<1x2x128xi32, #tpu.memory_space<hbm>> -> memref<2x128xi32, #tpu.memory_space<hbm>>
        tpu.enqueue_dma source(%dma_start3A_99 : memref<2x128xi32, #tpu.memory_space<hbm>>) target(%arg7 : memref<2x128xi32, #tpu.memory_space<vmem>>) target_semaphore(%run_scoped3A : memref<!tpu.dma_semaphore, #tpu.memory_space<semaphore_mem>>)
        %dma_wait3A_100 = arith.constant 0 : i32
        %dma_wait3A_101 = arith.constant 0 : i32
        %dma_wait3A_102 = tpu.memref_slice %arg2[%add3A_67, %dma_wait3A_100, %dma_wait3A_101] : memref<2560x2x128xi32, #tpu.memory_space<hbm>> -> memref<1x2x128xi32, #tpu.memory_space<hbm>>
        %dma_wait3A_103 = tpu.memref_squeeze %dma_wait3A_102 : memref<1x2x128xi32, #tpu.memory_space<hbm>> -> memref<2x128xi32, #tpu.memory_space<hbm>>
        %dma_wait3A_104 = arith.constant 0 : i32
        %dma_wait3A_105 = arith.constant 0 : i32
        %dma_wait3A_106 = tpu.memref_slice %arg2[%add3A_67, %dma_wait3A_104, %dma_wait3A_105] : memref<2560x2x128xi32, #tpu.memory_space<hbm>> -> memref<1x2x128xi32, #tpu.memory_space<hbm>>
        %dma_wait3A_107 = tpu.memref_squeeze %dma_wait3A_106 : memref<1x2x128xi32, #tpu.memory_space<hbm>> -> memref<2x128xi32, #tpu.memory_space<hbm>>
        tpu.wait_dma2 semaphore(%run_scoped3A : memref<!tpu.dma_semaphore, #tpu.memory_space<semaphore_mem>>) src(%dma_wait3A_107 : memref<2x128xi32, #tpu.memory_space<hbm>>) dst(%arg7 : memref<2x128xi32, #tpu.memory_space<vmem>>)
        tpu.yield
      }) : () -> ()
      %dma_start3A_68 = arith.constant 1 : i32
      %dma_start3A_69 = arith.constant 0 : i32
      %dma_start3A_70 = tpu.memref_slice %arg7[%dma_start3A_68, %dma_start3A_69] : memref<2x128xi32, #tpu.memory_space<vmem>> -> memref<1x128xi32, #tpu.memory_space<vmem>>
      %dma_start3A_71 = tpu.memref_squeeze %dma_start3A_70 : memref<1x128xi32, #tpu.memory_space<vmem>> -> memref<128xi32, #tpu.memory_space<vmem>>
      %dma_start3A_72 = arith.constant 0 : i32
      %dma_start3A_73 = arith.constant 0 : i32
      %dma_start3A_74 = tpu.memref_slice %arg6[%dma_start3A_72, %dma_start3A_73] : memref<10008x128xf32, #tpu.memory_space<vmem_shared>> -> memref<10008x128xf32, #tpu.memory_space<vmem_shared>>
      tpu.enqueue_indirect_dma source(%arg9 : memref<128x128xf32, #tpu.memory_space<vmem>>) target(%dma_start3A_74 : memref<10008x128xf32, #tpu.memory_space<vmem_shared>>) offsets(%dma_start3A_71 : memref<128xi32, #tpu.memory_space<vmem>>) semaphore(%arg10 : memref<!tpu.dma_semaphore, #tpu.memory_space<semaphore_mem>>) {add = true}
      %dma_wait3A_75 = arith.constant 1 : i32
      %dma_wait3A_76 = arith.constant 0 : i32
      %dma_wait3A_77 = tpu.memref_slice %arg8[%dma_wait3A_75, %dma_wait3A_76] : memref<2x128xi32, #tpu.memory_space<vmem>> -> memref<1x128xi32, #tpu.memory_space<vmem>>
      %dma_wait3A_78 = tpu.memref_squeeze %dma_wait3A_77 : memref<1x128xi32, #tpu.memory_space<vmem>> -> memref<128xi32, #tpu.memory_space<vmem>>
      %dma_wait3A_79 = arith.constant 0 : i32
      %dma_wait3A_80 = arith.constant 0 : i32
      %dma_wait3A_81 = tpu.memref_slice %arg6[%dma_wait3A_79, %dma_wait3A_80] : memref<10008x128xf32, #tpu.memory_space<vmem_shared>> -> memref<10008x128xf32, #tpu.memory_space<vmem_shared>>
      tpu.wait_indirect_dma semaphore(%arg11 : memref<!tpu.dma_semaphore, #tpu.memory_space<semaphore_mem>>) src(%arg9 : memref<128x128xf32, #tpu.memory_space<vmem>>) dst(%dma_wait3A_81 : memref<10008x128xf32, #tpu.memory_space<vmem_shared>>)
      %add3A_82 = arith.constant 3 : i32
      %add3A_83 = arith.addi %mul3A_57, %add3A_82 : i32
      %add3A_84 = arith.addi %mul3A_2, %add3A_83 : i32
      "tpu.region"() ({
        %run_scoped3A = tpu.sem_alloc : memref<!tpu.dma_semaphore, #tpu.memory_space<semaphore_mem>>
        %dma_start3A_92 = arith.constant 0 : i32
        %dma_start3A_93 = arith.constant 0 : i32
        %dma_start3A_94 = tpu.memref_slice %arg2[%add3A_84, %dma_start3A_92, %dma_start3A_93] : memref<2560x2x128xi32, #tpu.memory_space<hbm>> -> memref<1x2x128xi32, #tpu.memory_space<hbm>>
        %dma_start3A_95 = tpu.memref_squeeze %dma_start3A_94 : memref<1x2x128xi32, #tpu.memory_space<hbm>> -> memref<2x128xi32, #tpu.memory_space<hbm>>
        %dma_start3A_96 = arith.constant 0 : i32
        %dma_start3A_97 = arith.constant 0 : i32
        %dma_start3A_98 = tpu.memref_slice %arg2[%add3A_84, %dma_start3A_96, %dma_start3A_97] : memref<2560x2x128xi32, #tpu.memory_space<hbm>> -> memref<1x2x128xi32, #tpu.memory_space<hbm>>
        %dma_start3A_99 = tpu.memref_squeeze %dma_start3A_98 : memref<1x2x128xi32, #tpu.memory_space<hbm>> -> memref<2x128xi32, #tpu.memory_space<hbm>>
        tpu.enqueue_dma source(%dma_start3A_99 : memref<2x128xi32, #tpu.memory_space<hbm>>) target(%arg8 : memref<2x128xi32, #tpu.memory_space<vmem>>) target_semaphore(%run_scoped3A : memref<!tpu.dma_semaphore, #tpu.memory_space<semaphore_mem>>)
        %dma_wait3A_100 = arith.constant 0 : i32
        %dma_wait3A_101 = arith.constant 0 : i32
        %dma_wait3A_102 = tpu.memref_slice %arg2[%add3A_84, %dma_wait3A_100, %dma_wait3A_101] : memref<2560x2x128xi32, #tpu.memory_space<hbm>> -> memref<1x2x128xi32, #tpu.memory_space<hbm>>
        %dma_wait3A_103 = tpu.memref_squeeze %dma_wait3A_102 : memref<1x2x128xi32, #tpu.memory_space<hbm>> -> memref<2x128xi32, #tpu.memory_space<hbm>>
        %dma_wait3A_104 = arith.constant 0 : i32
        %dma_wait3A_105 = arith.constant 0 : i32
        %dma_wait3A_106 = tpu.memref_slice %arg2[%add3A_84, %dma_wait3A_104, %dma_wait3A_105] : memref<2560x2x128xi32, #tpu.memory_space<hbm>> -> memref<1x2x128xi32, #tpu.memory_space<hbm>>
        %dma_wait3A_107 = tpu.memref_squeeze %dma_wait3A_106 : memref<1x2x128xi32, #tpu.memory_space<hbm>> -> memref<2x128xi32, #tpu.memory_space<hbm>>
        tpu.wait_dma2 semaphore(%run_scoped3A : memref<!tpu.dma_semaphore, #tpu.memory_space<semaphore_mem>>) src(%dma_wait3A_107 : memref<2x128xi32, #tpu.memory_space<hbm>>) dst(%arg8 : memref<2x128xi32, #tpu.memory_space<vmem>>)
        tpu.yield
      }) : () -> ()
      %dma_start3A_85 = arith.constant 1 : i32
      %dma_start3A_86 = arith.constant 0 : i32
      %dma_start3A_87 = tpu.memref_slice %arg8[%dma_start3A_85, %dma_start3A_86] : memref<2x128xi32, #tpu.memory_space<vmem>> -> memref<1x128xi32, #tpu.memory_space<vmem>>
      %dma_start3A_88 = tpu.memref_squeeze %dma_start3A_87 : memref<1x128xi32, #tpu.memory_space<vmem>> -> memref<128xi32, #tpu.memory_space<vmem>>
      %dma_start3A_89 = arith.constant 0 : i32
      %dma_start3A_90 = arith.constant 0 : i32
      %dma_start3A_91 = tpu.memref_slice %arg6[%dma_start3A_89, %dma_start3A_90] : memref<10008x128xf32, #tpu.memory_space<vmem_shared>> -> memref<10008x128xf32, #tpu.memory_space<vmem_shared>>
      tpu.enqueue_indirect_dma source(%arg9 : memref<128x128xf32, #tpu.memory_space<vmem>>) target(%dma_start3A_91 : memref<10008x128xf32, #tpu.memory_space<vmem_shared>>) offsets(%dma_start3A_88 : memref<128xi32, #tpu.memory_space<vmem>>) semaphore(%arg11 : memref<!tpu.dma_semaphore, #tpu.memory_space<semaphore_mem>>) {add = true}
    }
    %scan3A_30 = arith.constant 39 : i32
    %dma_wait3A = arith.constant 1 : i32
    %dma_wait3A_31 = arith.constant 0 : i32
    %dma_wait3A_32 = tpu.memref_slice %arg7[%dma_wait3A, %dma_wait3A_31] : memref<2x128xi32, #tpu.memory_space<vmem>> -> memref<1x128xi32, #tpu.memory_space<vmem>>
    %dma_wait3A_33 = tpu.memref_squeeze %dma_wait3A_32 : memref<1x128xi32, #tpu.memory_space<vmem>> -> memref<128xi32, #tpu.memory_space<vmem>>
    %dma_wait3A_34 = arith.constant 0 : i32
    %dma_wait3A_35 = arith.constant 0 : i32
    %dma_wait3A_36 = tpu.memref_slice %arg6[%dma_wait3A_34, %dma_wait3A_35] : memref<10008x128xf32, #tpu.memory_space<vmem_shared>> -> memref<10008x128xf32, #tpu.memory_space<vmem_shared>>
    tpu.wait_indirect_dma semaphore(%arg10 : memref<!tpu.dma_semaphore, #tpu.memory_space<semaphore_mem>>) src(%arg9 : memref<128x128xf32, #tpu.memory_space<vmem>>) dst(%dma_wait3A_36 : memref<10008x128xf32, #tpu.memory_space<vmem_shared>>)
    %dma_wait3A_37 = arith.constant 1 : i32
    %dma_wait3A_38 = arith.constant 0 : i32
    %dma_wait3A_39 = tpu.memref_slice %arg8[%dma_wait3A_37, %dma_wait3A_38] : memref<2x128xi32, #tpu.memory_space<vmem>> -> memref<1x128xi32, #tpu.memory_space<vmem>>
    %dma_wait3A_40 = tpu.memref_squeeze %dma_wait3A_39 : memref<1x128xi32, #tpu.memory_space<vmem>> -> memref<128xi32, #tpu.memory_space<vmem>>
    %dma_wait3A_41 = arith.constant 0 : i32
    %dma_wait3A_42 = arith.constant 0 : i32
    %dma_wait3A_43 = tpu.memref_slice %arg6[%dma_wait3A_41, %dma_wait3A_42] : memref<10008x128xf32, #tpu.memory_space<vmem_shared>> -> memref<10008x128xf32, #tpu.memory_space<vmem_shared>>
    tpu.wait_indirect_dma semaphore(%arg11 : memref<!tpu.dma_semaphore, #tpu.memory_space<semaphore_mem>>) src(%arg9 : memref<128x128xf32, #tpu.memory_space<vmem>>) dst(%dma_wait3A_43 : memref<10008x128xf32, #tpu.memory_space<vmem_shared>>)
    %barrier3A_44 = arith.constant 0 : index
    tpu.barrier barrier_id(%barrier3A_44)
    %lt3A_45 = arith.constant 15 : i32
    %lt3A_46 = arith.cmpi slt, %arg1, %lt3A_45 : i32
    %convert_element_type3A_47 = arith.extui %lt3A_46 : i1 to i32
    %cond3A_48 = arith.constant 0 : i32
    %cond3A_49 = arith.cmpi ne, %convert_element_type3A_47, %cond3A_48 : i32
    scf.if %cond3A_49 {
      %mul3A_55 = arith.constant 632 : i32
      %mul3A_56 = arith.muli %arg1, %mul3A_55 : i32
      %mul3A_57 = arith.constant 632 : i32
      %mul3A_58 = arith.muli %arg1, %mul3A_57 : i32
      "tpu.region"() ({
        %run_scoped3A = tpu.sem_alloc : memref<!tpu.dma_semaphore, #tpu.memory_space<semaphore_mem>>
        %dma_start3A_59 = arith.constant 0 : i32
        %dma_start3A_60 = tpu.memref_slice %arg5[%arg0, %mul3A_58, %dma_start3A_59] : memref<2x10008x128xf32, #tpu.memory_space<hbm>> -> memref<1x632x128xf32, #tpu.memory_space<hbm>>
        %dma_start3A_61 = tpu.memref_squeeze %dma_start3A_60 : memref<1x632x128xf32, #tpu.memory_space<hbm>> -> memref<632x128xf32, #tpu.memory_space<hbm>>
        %dma_start3A_62 = arith.constant 0 : i32
        %dma_start3A_63 = tpu.memref_slice %arg6[%mul3A_56, %dma_start3A_62] : memref<10008x128xf32, #tpu.memory_space<vmem_shared>> -> memref<632x128xf32, #tpu.memory_space<vmem_shared>>
        tpu.enqueue_dma source(%dma_start3A_63 : memref<632x128xf32, #tpu.memory_space<vmem_shared>>) target(%dma_start3A_61 : memref<632x128xf32, #tpu.memory_space<hbm>>) target_semaphore(%run_scoped3A : memref<!tpu.dma_semaphore, #tpu.memory_space<semaphore_mem>>)
        %dma_wait3A_64 = arith.constant 0 : i32
        %dma_wait3A_65 = tpu.memref_slice %arg5[%arg0, %mul3A_58, %dma_wait3A_64] : memref<2x10008x128xf32, #tpu.memory_space<hbm>> -> memref<1x632x128xf32, #tpu.memory_space<hbm>>
        %dma_wait3A_66 = tpu.memref_squeeze %dma_wait3A_65 : memref<1x632x128xf32, #tpu.memory_space<hbm>> -> memref<632x128xf32, #tpu.memory_space<hbm>>
        %dma_wait3A_67 = arith.constant 0 : i32
        %dma_wait3A_68 = tpu.memref_slice %arg6[%mul3A_56, %dma_wait3A_67] : memref<10008x128xf32, #tpu.memory_space<vmem_shared>> -> memref<632x128xf32, #tpu.memory_space<vmem_shared>>
        tpu.wait_dma2 semaphore(%run_scoped3A : memref<!tpu.dma_semaphore, #tpu.memory_space<semaphore_mem>>) src(%dma_wait3A_68 : memref<632x128xf32, #tpu.memory_space<vmem_shared>>) dst(%dma_wait3A_66 : memref<632x128xf32, #tpu.memory_space<hbm>>)
        tpu.yield
      }) : () -> ()
    } else {
    }
    %eq3A_50 = arith.constant 15 : i32
    %eq3A_51 = arith.cmpi eq, %arg1, %eq3A_50 : i32
    %convert_element_type3A_52 = arith.extui %eq3A_51 : i1 to i32
    %cond3A_53 = arith.constant 0 : i32
    %cond3A_54 = arith.cmpi ne, %convert_element_type3A_52, %cond3A_53 : i32
    scf.if %cond3A_54 {
      "tpu.region"() ({
        %run_scoped3A = tpu.sem_alloc : memref<!tpu.dma_semaphore, #tpu.memory_space<semaphore_mem>>
        %dma_start3A_55 = arith.constant 9480 : i32
        %dma_start3A_56 = arith.constant 0 : i32
        %dma_start3A_57 = tpu.memref_slice %arg5[%arg0, %dma_start3A_55, %dma_start3A_56] : memref<2x10008x128xf32, #tpu.memory_space<hbm>> -> memref<1x528x128xf32, #tpu.memory_space<hbm>>
        %dma_start3A_58 = tpu.memref_squeeze %dma_start3A_57 : memref<1x528x128xf32, #tpu.memory_space<hbm>> -> memref<528x128xf32, #tpu.memory_space<hbm>>
        %dma_start3A_59 = arith.constant 9480 : i32
        %dma_start3A_60 = arith.constant 0 : i32
        %dma_start3A_61 = tpu.memref_slice %arg6[%dma_start3A_59, %dma_start3A_60] : memref<10008x128xf32, #tpu.memory_space<vmem_shared>> -> memref<528x128xf32, #tpu.memory_space<vmem_shared>>
        tpu.enqueue_dma source(%dma_start3A_61 : memref<528x128xf32, #tpu.memory_space<vmem_shared>>) target(%dma_start3A_58 : memref<528x128xf32, #tpu.memory_space<hbm>>) target_semaphore(%run_scoped3A : memref<!tpu.dma_semaphore, #tpu.memory_space<semaphore_mem>>)
        %dma_wait3A_62 = arith.constant 9480 : i32
        %dma_wait3A_63 = arith.constant 0 : i32
        %dma_wait3A_64 = tpu.memref_slice %arg5[%arg0, %dma_wait3A_62, %dma_wait3A_63] : memref<2x10008x128xf32, #tpu.memory_space<hbm>> -> memref<1x528x128xf32, #tpu.memory_space<hbm>>
        %dma_wait3A_65 = tpu.memref_squeeze %dma_wait3A_64 : memref<1x528x128xf32, #tpu.memory_space<hbm>> -> memref<528x128xf32, #tpu.memory_space<hbm>>
        %dma_wait3A_66 = arith.constant 9480 : i32
        %dma_wait3A_67 = arith.constant 0 : i32
        %dma_wait3A_68 = tpu.memref_slice %arg6[%dma_wait3A_66, %dma_wait3A_67] : memref<10008x128xf32, #tpu.memory_space<vmem_shared>> -> memref<528x128xf32, #tpu.memory_space<vmem_shared>>
        tpu.wait_dma2 semaphore(%run_scoped3A : memref<!tpu.dma_semaphore, #tpu.memory_space<semaphore_mem>>) src(%dma_wait3A_68 : memref<528x128xf32, #tpu.memory_space<vmem_shared>>) dst(%dma_wait3A_65 : memref<528x128xf32, #tpu.memory_space<hbm>>)
        tpu.yield
      }) : () -> ()
    } else {
    }
    return
  }
}

#map = affine_map<(d0, d1) -> (0, 0)>
#map1 = affine_map<(d0, d1) -> (0, 0, 0)>
module attributes {stable_mosaic.version = 14 : i64} {
  func.func @edge_kernel(%arg0: i32, %arg1: i32, %arg2: memref<10000x128xf32, #tpu.memory_space<hbm>>, %arg3: memref<2560x2x128xi32, #tpu.memory_space<hbm>>, %arg4: memref<632x128xf32, #tpu.memory_space<hbm>>, %arg5: memref<2x10008x128xf32, #tpu.memory_space<hbm>>, %arg6: memref<10008x128xf32, #tpu.memory_space<vmem_shared>>, %arg7: memref<2x128xi32, #tpu.memory_space<vmem>>, %arg8: memref<2x128xi32, #tpu.memory_space<vmem>>, %arg9: memref<128x128xf32, #tpu.memory_space<vmem>>, %arg10: memref<128x128xf32, #tpu.memory_space<vmem>>, %arg11: memref<!tpu.dma_semaphore, #tpu.memory_space<semaphore_mem>>, %arg12: memref<!tpu.dma_semaphore, #tpu.memory_space<semaphore_mem>>) attributes {dimension_semantics = [#tpu.dimension_semantics<core_parallel>, #tpu.dimension_semantics<subcore_parallel>], iteration_bounds = array<i64: 2, 16>, scalar_prefetch = 0 : i64, scratch_operands = 7 : i64, tpu.core_type = #tpu.core_type<sc_vector_subcore>, window_params = [{transform_indices = #map}, {transform_indices = #map1}, {transform_indices = #map}, {transform_indices = #map1}]} {
    %mul3A = arith.constant 16 : i32
    %mul3A_0 = arith.muli %arg0, %mul3A : i32
    %add3A = arith.addi %mul3A_0, %arg1 : i32
    %mul3A_1 = arith.constant 80 : i32
    %mul3A_2 = arith.muli %add3A, %mul3A_1 : i32
    %lt3A = arith.constant 15 : i32
    %lt3A_3 = arith.cmpi slt, %arg1, %lt3A : i32
    %convert_element_type3A = arith.extui %lt3A_3 : i1 to i32
    %cond3A = arith.constant 0 : i32
    %cond3A_4 = arith.cmpi ne, %convert_element_type3A, %cond3A : i32
    scf.if %cond3A_4 {
      %mul3A_56 = arith.constant 632 : i32
      %mul3A_57 = arith.muli %arg1, %mul3A_56 : i32
      "tpu.region"() ({
        %run_scoped3A_58 = tpu.sem_alloc : memref<!tpu.dma_semaphore, #tpu.memory_space<semaphore_mem>>
        %dma_start3A_59 = arith.constant 0 : i32
        %dma_start3A_60 = tpu.memref_slice %arg6[%mul3A_57, %dma_start3A_59] : memref<10008x128xf32, #tpu.memory_space<vmem_shared>> -> memref<632x128xf32, #tpu.memory_space<vmem_shared>>
        tpu.enqueue_dma source(%arg4 : memref<632x128xf32, #tpu.memory_space<hbm>>) target(%dma_start3A_60 : memref<632x128xf32, #tpu.memory_space<vmem_shared>>) target_semaphore(%run_scoped3A_58 : memref<!tpu.dma_semaphore, #tpu.memory_space<semaphore_mem>>)
        %dma_wait3A_61 = arith.constant 0 : i32
        %dma_wait3A_62 = tpu.memref_slice %arg6[%mul3A_57, %dma_wait3A_61] : memref<10008x128xf32, #tpu.memory_space<vmem_shared>> -> memref<632x128xf32, #tpu.memory_space<vmem_shared>>
        tpu.wait_dma2 semaphore(%run_scoped3A_58 : memref<!tpu.dma_semaphore, #tpu.memory_space<semaphore_mem>>) src(%arg4 : memref<632x128xf32, #tpu.memory_space<hbm>>) dst(%dma_wait3A_62 : memref<632x128xf32, #tpu.memory_space<vmem_shared>>)
        tpu.yield
      }) : () -> ()
    } else {
    }
    %eq3A = arith.constant 15 : i32
    %eq3A_5 = arith.cmpi eq, %arg1, %eq3A : i32
    %convert_element_type3A_6 = arith.extui %eq3A_5 : i1 to i32
    %cond3A_7 = arith.constant 0 : i32
    %cond3A_8 = arith.cmpi ne, %convert_element_type3A_6, %cond3A_7 : i32
    scf.if %cond3A_8 {
      "tpu.region"() ({
        %run_scoped3A_56 = tpu.sem_alloc : memref<!tpu.dma_semaphore, #tpu.memory_space<semaphore_mem>>
        %dma_start3A_57 = arith.constant 9480 : i32
        %dma_start3A_58 = arith.constant 0 : i32
        %dma_start3A_59 = tpu.memref_slice %arg6[%dma_start3A_57, %dma_start3A_58] : memref<10008x128xf32, #tpu.memory_space<vmem_shared>> -> memref<528x128xf32, #tpu.memory_space<vmem_shared>>
        %dma_start3A_60 = arith.constant 0 : i32
        %dma_start3A_61 = arith.constant 0 : i32
        %dma_start3A_62 = tpu.memref_slice %arg4[%dma_start3A_60, %dma_start3A_61] : memref<632x128xf32, #tpu.memory_space<hbm>> -> memref<528x128xf32, #tpu.memory_space<hbm>>
        tpu.enqueue_dma source(%dma_start3A_62 : memref<528x128xf32, #tpu.memory_space<hbm>>) target(%dma_start3A_59 : memref<528x128xf32, #tpu.memory_space<vmem_shared>>) target_semaphore(%run_scoped3A_56 : memref<!tpu.dma_semaphore, #tpu.memory_space<semaphore_mem>>)
        %dma_wait3A_63 = arith.constant 9480 : i32
        %dma_wait3A_64 = arith.constant 0 : i32
        %dma_wait3A_65 = tpu.memref_slice %arg6[%dma_wait3A_63, %dma_wait3A_64] : memref<10008x128xf32, #tpu.memory_space<vmem_shared>> -> memref<528x128xf32, #tpu.memory_space<vmem_shared>>
        %dma_wait3A_66 = arith.constant 0 : i32
        %dma_wait3A_67 = arith.constant 0 : i32
        %dma_wait3A_68 = tpu.memref_slice %arg4[%dma_wait3A_66, %dma_wait3A_67] : memref<632x128xf32, #tpu.memory_space<hbm>> -> memref<528x128xf32, #tpu.memory_space<hbm>>
        tpu.wait_dma2 semaphore(%run_scoped3A_56 : memref<!tpu.dma_semaphore, #tpu.memory_space<semaphore_mem>>) src(%dma_wait3A_68 : memref<528x128xf32, #tpu.memory_space<hbm>>) dst(%dma_wait3A_65 : memref<528x128xf32, #tpu.memory_space<vmem_shared>>)
        tpu.yield
      }) : () -> ()
    } else {
    }
    %barrier3A = arith.constant 0 : index
    tpu.barrier barrier_id(%barrier3A)
    %add3A_9 = arith.constant 0 : i32
    %add3A_10 = arith.addi %mul3A_2, %add3A_9 : i32
    "tpu.region"() ({
      %run_scoped3A_56 = tpu.sem_alloc : memref<!tpu.dma_semaphore, #tpu.memory_space<semaphore_mem>>
      %dma_start3A_57 = arith.constant 0 : i32
      %dma_start3A_58 = arith.constant 0 : i32
      %dma_start3A_59 = tpu.memref_slice %arg3[%add3A_10, %dma_start3A_57, %dma_start3A_58] : memref<2560x2x128xi32, #tpu.memory_space<hbm>> -> memref<1x2x128xi32, #tpu.memory_space<hbm>>
      %dma_start3A_60 = tpu.memref_squeeze %dma_start3A_59 : memref<1x2x128xi32, #tpu.memory_space<hbm>> -> memref<2x128xi32, #tpu.memory_space<hbm>>
      %dma_start3A_61 = arith.constant 0 : i32
      %dma_start3A_62 = arith.constant 0 : i32
      %dma_start3A_63 = tpu.memref_slice %arg3[%add3A_10, %dma_start3A_61, %dma_start3A_62] : memref<2560x2x128xi32, #tpu.memory_space<hbm>> -> memref<1x2x128xi32, #tpu.memory_space<hbm>>
      %dma_start3A_64 = tpu.memref_squeeze %dma_start3A_63 : memref<1x2x128xi32, #tpu.memory_space<hbm>> -> memref<2x128xi32, #tpu.memory_space<hbm>>
      tpu.enqueue_dma source(%dma_start3A_64 : memref<2x128xi32, #tpu.memory_space<hbm>>) target(%arg7 : memref<2x128xi32, #tpu.memory_space<vmem>>) target_semaphore(%run_scoped3A_56 : memref<!tpu.dma_semaphore, #tpu.memory_space<semaphore_mem>>)
      %dma_wait3A_65 = arith.constant 0 : i32
      %dma_wait3A_66 = arith.constant 0 : i32
      %dma_wait3A_67 = tpu.memref_slice %arg3[%add3A_10, %dma_wait3A_65, %dma_wait3A_66] : memref<2560x2x128xi32, #tpu.memory_space<hbm>> -> memref<1x2x128xi32, #tpu.memory_space<hbm>>
      %dma_wait3A_68 = tpu.memref_squeeze %dma_wait3A_67 : memref<1x2x128xi32, #tpu.memory_space<hbm>> -> memref<2x128xi32, #tpu.memory_space<hbm>>
      %dma_wait3A_69 = arith.constant 0 : i32
      %dma_wait3A_70 = arith.constant 0 : i32
      %dma_wait3A_71 = tpu.memref_slice %arg3[%add3A_10, %dma_wait3A_69, %dma_wait3A_70] : memref<2560x2x128xi32, #tpu.memory_space<hbm>> -> memref<1x2x128xi32, #tpu.memory_space<hbm>>
      %dma_wait3A_72 = tpu.memref_squeeze %dma_wait3A_71 : memref<1x2x128xi32, #tpu.memory_space<hbm>> -> memref<2x128xi32, #tpu.memory_space<hbm>>
      tpu.wait_dma2 semaphore(%run_scoped3A_56 : memref<!tpu.dma_semaphore, #tpu.memory_space<semaphore_mem>>) src(%dma_wait3A_72 : memref<2x128xi32, #tpu.memory_space<hbm>>) dst(%arg7 : memref<2x128xi32, #tpu.memory_space<vmem>>)
      tpu.yield
    }) : () -> ()
    %add3A_11 = arith.constant 1 : i32
    %add3A_12 = arith.addi %mul3A_2, %add3A_11 : i32
    "tpu.region"() ({
      %run_scoped3A_56 = tpu.sem_alloc : memref<!tpu.dma_semaphore, #tpu.memory_space<semaphore_mem>>
      %dma_start3A_57 = arith.constant 0 : i32
      %dma_start3A_58 = arith.constant 0 : i32
      %dma_start3A_59 = tpu.memref_slice %arg3[%add3A_12, %dma_start3A_57, %dma_start3A_58] : memref<2560x2x128xi32, #tpu.memory_space<hbm>> -> memref<1x2x128xi32, #tpu.memory_space<hbm>>
      %dma_start3A_60 = tpu.memref_squeeze %dma_start3A_59 : memref<1x2x128xi32, #tpu.memory_space<hbm>> -> memref<2x128xi32, #tpu.memory_space<hbm>>
      %dma_start3A_61 = arith.constant 0 : i32
      %dma_start3A_62 = arith.constant 0 : i32
      %dma_start3A_63 = tpu.memref_slice %arg3[%add3A_12, %dma_start3A_61, %dma_start3A_62] : memref<2560x2x128xi32, #tpu.memory_space<hbm>> -> memref<1x2x128xi32, #tpu.memory_space<hbm>>
      %dma_start3A_64 = tpu.memref_squeeze %dma_start3A_63 : memref<1x2x128xi32, #tpu.memory_space<hbm>> -> memref<2x128xi32, #tpu.memory_space<hbm>>
      tpu.enqueue_dma source(%dma_start3A_64 : memref<2x128xi32, #tpu.memory_space<hbm>>) target(%arg8 : memref<2x128xi32, #tpu.memory_space<vmem>>) target_semaphore(%run_scoped3A_56 : memref<!tpu.dma_semaphore, #tpu.memory_space<semaphore_mem>>)
      %dma_wait3A_65 = arith.constant 0 : i32
      %dma_wait3A_66 = arith.constant 0 : i32
      %dma_wait3A_67 = tpu.memref_slice %arg3[%add3A_12, %dma_wait3A_65, %dma_wait3A_66] : memref<2560x2x128xi32, #tpu.memory_space<hbm>> -> memref<1x2x128xi32, #tpu.memory_space<hbm>>
      %dma_wait3A_68 = tpu.memref_squeeze %dma_wait3A_67 : memref<1x2x128xi32, #tpu.memory_space<hbm>> -> memref<2x128xi32, #tpu.memory_space<hbm>>
      %dma_wait3A_69 = arith.constant 0 : i32
      %dma_wait3A_70 = arith.constant 0 : i32
      %dma_wait3A_71 = tpu.memref_slice %arg3[%add3A_12, %dma_wait3A_69, %dma_wait3A_70] : memref<2560x2x128xi32, #tpu.memory_space<hbm>> -> memref<1x2x128xi32, #tpu.memory_space<hbm>>
      %dma_wait3A_72 = tpu.memref_squeeze %dma_wait3A_71 : memref<1x2x128xi32, #tpu.memory_space<hbm>> -> memref<2x128xi32, #tpu.memory_space<hbm>>
      tpu.wait_dma2 semaphore(%run_scoped3A_56 : memref<!tpu.dma_semaphore, #tpu.memory_space<semaphore_mem>>) src(%dma_wait3A_72 : memref<2x128xi32, #tpu.memory_space<hbm>>) dst(%arg8 : memref<2x128xi32, #tpu.memory_space<vmem>>)
      tpu.yield
    }) : () -> ()
    %dma_start3A = arith.constant 0 : i32
    %dma_start3A_13 = arith.constant 0 : i32
    %dma_start3A_14 = tpu.memref_slice %arg7[%dma_start3A, %dma_start3A_13] : memref<2x128xi32, #tpu.memory_space<vmem>> -> memref<1x128xi32, #tpu.memory_space<vmem>>
    %dma_start3A_15 = tpu.memref_squeeze %dma_start3A_14 : memref<1x128xi32, #tpu.memory_space<vmem>> -> memref<128xi32, #tpu.memory_space<vmem>>
    %dma_start3A_16 = arith.constant 0 : i32
    %dma_start3A_17 = arith.constant 0 : i32
    %dma_start3A_18 = tpu.memref_slice %arg2[%dma_start3A_16, %dma_start3A_17] : memref<10000x128xf32, #tpu.memory_space<hbm>> -> memref<10000x128xf32, #tpu.memory_space<hbm>>
    tpu.enqueue_indirect_dma source(%dma_start3A_18 : memref<10000x128xf32, #tpu.memory_space<hbm>>) target(%arg9 : memref<128x128xf32, #tpu.memory_space<vmem>>) offsets(%dma_start3A_15 : memref<128xi32, #tpu.memory_space<vmem>>) semaphore(%arg11 : memref<!tpu.dma_semaphore, #tpu.memory_space<semaphore_mem>>)
    %dma_start3A_19 = arith.constant 0 : i32
    %dma_start3A_20 = arith.constant 0 : i32
    %dma_start3A_21 = tpu.memref_slice %arg8[%dma_start3A_19, %dma_start3A_20] : memref<2x128xi32, #tpu.memory_space<vmem>> -> memref<1x128xi32, #tpu.memory_space<vmem>>
    %dma_start3A_22 = tpu.memref_squeeze %dma_start3A_21 : memref<1x128xi32, #tpu.memory_space<vmem>> -> memref<128xi32, #tpu.memory_space<vmem>>
    %dma_start3A_23 = arith.constant 0 : i32
    %dma_start3A_24 = arith.constant 0 : i32
    %dma_start3A_25 = tpu.memref_slice %arg2[%dma_start3A_23, %dma_start3A_24] : memref<10000x128xf32, #tpu.memory_space<hbm>> -> memref<10000x128xf32, #tpu.memory_space<hbm>>
    tpu.enqueue_indirect_dma source(%dma_start3A_25 : memref<10000x128xf32, #tpu.memory_space<hbm>>) target(%arg10 : memref<128x128xf32, #tpu.memory_space<vmem>>) offsets(%dma_start3A_22 : memref<128xi32, #tpu.memory_space<vmem>>) semaphore(%arg12 : memref<!tpu.dma_semaphore, #tpu.memory_space<semaphore_mem>>)
    %scan3A = arith.constant 0 : i32
    %scan3A_26 = arith.constant 0 : i32
    %scan3A_27 = arith.constant 39 : i32
    %scan3A_28 = arith.addi %scan3A_26, %scan3A_27 : i32
    %scan3A_29 = arith.constant 1 : i32
    scf.for %scan3A_56 = %scan3A_26 to %scan3A_28 step %scan3A_29  : i32 {
      %mul3A_57 = arith.constant 2 : i32
      %mul3A_58 = arith.muli %mul3A_57, %scan3A_56 : i32
      %dma_wait3A_59 = arith.constant 0 : i32
      %dma_wait3A_60 = arith.constant 0 : i32
      %dma_wait3A_61 = tpu.memref_slice %arg7[%dma_wait3A_59, %dma_wait3A_60] : memref<2x128xi32, #tpu.memory_space<vmem>> -> memref<1x128xi32, #tpu.memory_space<vmem>>
      %dma_wait3A_62 = tpu.memref_squeeze %dma_wait3A_61 : memref<1x128xi32, #tpu.memory_space<vmem>> -> memref<128xi32, #tpu.memory_space<vmem>>
      %dma_wait3A_63 = arith.constant 0 : i32
      %dma_wait3A_64 = arith.constant 0 : i32
      %dma_wait3A_65 = tpu.memref_slice %arg2[%dma_wait3A_63, %dma_wait3A_64] : memref<10000x128xf32, #tpu.memory_space<hbm>> -> memref<10000x128xf32, #tpu.memory_space<hbm>>
      tpu.wait_indirect_dma semaphore(%arg11 : memref<!tpu.dma_semaphore, #tpu.memory_space<semaphore_mem>>) src(%dma_wait3A_65 : memref<10000x128xf32, #tpu.memory_space<hbm>>) dst(%arg9 : memref<128x128xf32, #tpu.memory_space<vmem>>)
      %run_scoped3A_66 = arith.constant 1 : i32
      "tpu.region"() ({
        %run_scoped3A_95 = tpu.sem_alloc : memref<!tpu.dma_semaphore, #tpu.memory_space<semaphore_mem>>
        %dma_start3A_96 = arith.constant 0 : i32
        %dma_start3A_97 = tpu.memref_slice %arg7[%run_scoped3A_66, %dma_start3A_96] : memref<2x128xi32, #tpu.memory_space<vmem>> -> memref<1x128xi32, #tpu.memory_space<vmem>>
        %dma_start3A_98 = tpu.memref_squeeze %dma_start3A_97 : memref<1x128xi32, #tpu.memory_space<vmem>> -> memref<128xi32, #tpu.memory_space<vmem>>
        %dma_start3A_99 = arith.constant 0 : i32
        %dma_start3A_100 = arith.constant 0 : i32
        %dma_start3A_101 = tpu.memref_slice %arg6[%dma_start3A_99, %dma_start3A_100] : memref<10008x128xf32, #tpu.memory_space<vmem_shared>> -> memref<10008x128xf32, #tpu.memory_space<vmem_shared>>
        tpu.enqueue_indirect_dma source(%arg9 : memref<128x128xf32, #tpu.memory_space<vmem>>) target(%dma_start3A_101 : memref<10008x128xf32, #tpu.memory_space<vmem_shared>>) offsets(%dma_start3A_98 : memref<128xi32, #tpu.memory_space<vmem>>) semaphore(%run_scoped3A_95 : memref<!tpu.dma_semaphore, #tpu.memory_space<semaphore_mem>>) {add = true}
        %dma_wait3A_102 = arith.constant 0 : i32
        %dma_wait3A_103 = tpu.memref_slice %arg7[%run_scoped3A_66, %dma_wait3A_102] : memref<2x128xi32, #tpu.memory_space<vmem>> -> memref<1x128xi32, #tpu.memory_space<vmem>>
        %dma_wait3A_104 = tpu.memref_squeeze %dma_wait3A_103 : memref<1x128xi32, #tpu.memory_space<vmem>> -> memref<128xi32, #tpu.memory_space<vmem>>
        %dma_wait3A_105 = arith.constant 0 : i32
        %dma_wait3A_106 = arith.constant 0 : i32
        %dma_wait3A_107 = tpu.memref_slice %arg6[%dma_wait3A_105, %dma_wait3A_106] : memref<10008x128xf32, #tpu.memory_space<vmem_shared>> -> memref<10008x128xf32, #tpu.memory_space<vmem_shared>>
        tpu.wait_indirect_dma semaphore(%run_scoped3A_95 : memref<!tpu.dma_semaphore, #tpu.memory_space<semaphore_mem>>) src(%arg9 : memref<128x128xf32, #tpu.memory_space<vmem>>) dst(%dma_wait3A_107 : memref<10008x128xf32, #tpu.memory_space<vmem_shared>>)
        tpu.yield
      }) : () -> ()
      %add3A_67 = arith.constant 2 : i32
      %add3A_68 = arith.addi %mul3A_58, %add3A_67 : i32
      %add3A_69 = arith.addi %mul3A_2, %add3A_68 : i32
      "tpu.region"() ({
        %run_scoped3A_95 = tpu.sem_alloc : memref<!tpu.dma_semaphore, #tpu.memory_space<semaphore_mem>>
        %dma_start3A_96 = arith.constant 0 : i32
        %dma_start3A_97 = arith.constant 0 : i32
        %dma_start3A_98 = tpu.memref_slice %arg3[%add3A_69, %dma_start3A_96, %dma_start3A_97] : memref<2560x2x128xi32, #tpu.memory_space<hbm>> -> memref<1x2x128xi32, #tpu.memory_space<hbm>>
        %dma_start3A_99 = tpu.memref_squeeze %dma_start3A_98 : memref<1x2x128xi32, #tpu.memory_space<hbm>> -> memref<2x128xi32, #tpu.memory_space<hbm>>
        %dma_start3A_100 = arith.constant 0 : i32
        %dma_start3A_101 = arith.constant 0 : i32
        %dma_start3A_102 = tpu.memref_slice %arg3[%add3A_69, %dma_start3A_100, %dma_start3A_101] : memref<2560x2x128xi32, #tpu.memory_space<hbm>> -> memref<1x2x128xi32, #tpu.memory_space<hbm>>
        %dma_start3A_103 = tpu.memref_squeeze %dma_start3A_102 : memref<1x2x128xi32, #tpu.memory_space<hbm>> -> memref<2x128xi32, #tpu.memory_space<hbm>>
        tpu.enqueue_dma source(%dma_start3A_103 : memref<2x128xi32, #tpu.memory_space<hbm>>) target(%arg7 : memref<2x128xi32, #tpu.memory_space<vmem>>) target_semaphore(%run_scoped3A_95 : memref<!tpu.dma_semaphore, #tpu.memory_space<semaphore_mem>>)
        %dma_wait3A_104 = arith.constant 0 : i32
        %dma_wait3A_105 = arith.constant 0 : i32
        %dma_wait3A_106 = tpu.memref_slice %arg3[%add3A_69, %dma_wait3A_104, %dma_wait3A_105] : memref<2560x2x128xi32, #tpu.memory_space<hbm>> -> memref<1x2x128xi32, #tpu.memory_space<hbm>>
        %dma_wait3A_107 = tpu.memref_squeeze %dma_wait3A_106 : memref<1x2x128xi32, #tpu.memory_space<hbm>> -> memref<2x128xi32, #tpu.memory_space<hbm>>
        %dma_wait3A_108 = arith.constant 0 : i32
        %dma_wait3A_109 = arith.constant 0 : i32
        %dma_wait3A_110 = tpu.memref_slice %arg3[%add3A_69, %dma_wait3A_108, %dma_wait3A_109] : memref<2560x2x128xi32, #tpu.memory_space<hbm>> -> memref<1x2x128xi32, #tpu.memory_space<hbm>>
        %dma_wait3A_111 = tpu.memref_squeeze %dma_wait3A_110 : memref<1x2x128xi32, #tpu.memory_space<hbm>> -> memref<2x128xi32, #tpu.memory_space<hbm>>
        tpu.wait_dma2 semaphore(%run_scoped3A_95 : memref<!tpu.dma_semaphore, #tpu.memory_space<semaphore_mem>>) src(%dma_wait3A_111 : memref<2x128xi32, #tpu.memory_space<hbm>>) dst(%arg7 : memref<2x128xi32, #tpu.memory_space<vmem>>)
        tpu.yield
      }) : () -> ()
      %dma_start3A_70 = arith.constant 0 : i32
      %dma_start3A_71 = arith.constant 0 : i32
      %dma_start3A_72 = tpu.memref_slice %arg7[%dma_start3A_70, %dma_start3A_71] : memref<2x128xi32, #tpu.memory_space<vmem>> -> memref<1x128xi32, #tpu.memory_space<vmem>>
      %dma_start3A_73 = tpu.memref_squeeze %dma_start3A_72 : memref<1x128xi32, #tpu.memory_space<vmem>> -> memref<128xi32, #tpu.memory_space<vmem>>
      %dma_start3A_74 = arith.constant 0 : i32
      %dma_start3A_75 = arith.constant 0 : i32
      %dma_start3A_76 = tpu.memref_slice %arg2[%dma_start3A_74, %dma_start3A_75] : memref<10000x128xf32, #tpu.memory_space<hbm>> -> memref<10000x128xf32, #tpu.memory_space<hbm>>
      tpu.enqueue_indirect_dma source(%dma_start3A_76 : memref<10000x128xf32, #tpu.memory_space<hbm>>) target(%arg9 : memref<128x128xf32, #tpu.memory_space<vmem>>) offsets(%dma_start3A_73 : memref<128xi32, #tpu.memory_space<vmem>>) semaphore(%arg11 : memref<!tpu.dma_semaphore, #tpu.memory_space<semaphore_mem>>)
      %dma_wait3A_77 = arith.constant 0 : i32
      %dma_wait3A_78 = arith.constant 0 : i32
      %dma_wait3A_79 = tpu.memref_slice %arg8[%dma_wait3A_77, %dma_wait3A_78] : memref<2x128xi32, #tpu.memory_space<vmem>> -> memref<1x128xi32, #tpu.memory_space<vmem>>
      %dma_wait3A_80 = tpu.memref_squeeze %dma_wait3A_79 : memref<1x128xi32, #tpu.memory_space<vmem>> -> memref<128xi32, #tpu.memory_space<vmem>>
      %dma_wait3A_81 = arith.constant 0 : i32
      %dma_wait3A_82 = arith.constant 0 : i32
      %dma_wait3A_83 = tpu.memref_slice %arg2[%dma_wait3A_81, %dma_wait3A_82] : memref<10000x128xf32, #tpu.memory_space<hbm>> -> memref<10000x128xf32, #tpu.memory_space<hbm>>
      tpu.wait_indirect_dma semaphore(%arg12 : memref<!tpu.dma_semaphore, #tpu.memory_space<semaphore_mem>>) src(%dma_wait3A_83 : memref<10000x128xf32, #tpu.memory_space<hbm>>) dst(%arg10 : memref<128x128xf32, #tpu.memory_space<vmem>>)
      %run_scoped3A_84 = arith.constant 1 : i32
      "tpu.region"() ({
        %run_scoped3A_95 = tpu.sem_alloc : memref<!tpu.dma_semaphore, #tpu.memory_space<semaphore_mem>>
        %dma_start3A_96 = arith.constant 0 : i32
        %dma_start3A_97 = tpu.memref_slice %arg8[%run_scoped3A_84, %dma_start3A_96] : memref<2x128xi32, #tpu.memory_space<vmem>> -> memref<1x128xi32, #tpu.memory_space<vmem>>
        %dma_start3A_98 = tpu.memref_squeeze %dma_start3A_97 : memref<1x128xi32, #tpu.memory_space<vmem>> -> memref<128xi32, #tpu.memory_space<vmem>>
        %dma_start3A_99 = arith.constant 0 : i32
        %dma_start3A_100 = arith.constant 0 : i32
        %dma_start3A_101 = tpu.memref_slice %arg6[%dma_start3A_99, %dma_start3A_100] : memref<10008x128xf32, #tpu.memory_space<vmem_shared>> -> memref<10008x128xf32, #tpu.memory_space<vmem_shared>>
        tpu.enqueue_indirect_dma source(%arg10 : memref<128x128xf32, #tpu.memory_space<vmem>>) target(%dma_start3A_101 : memref<10008x128xf32, #tpu.memory_space<vmem_shared>>) offsets(%dma_start3A_98 : memref<128xi32, #tpu.memory_space<vmem>>) semaphore(%run_scoped3A_95 : memref<!tpu.dma_semaphore, #tpu.memory_space<semaphore_mem>>) {add = true}
        %dma_wait3A_102 = arith.constant 0 : i32
        %dma_wait3A_103 = tpu.memref_slice %arg8[%run_scoped3A_84, %dma_wait3A_102] : memref<2x128xi32, #tpu.memory_space<vmem>> -> memref<1x128xi32, #tpu.memory_space<vmem>>
        %dma_wait3A_104 = tpu.memref_squeeze %dma_wait3A_103 : memref<1x128xi32, #tpu.memory_space<vmem>> -> memref<128xi32, #tpu.memory_space<vmem>>
        %dma_wait3A_105 = arith.constant 0 : i32
        %dma_wait3A_106 = arith.constant 0 : i32
        %dma_wait3A_107 = tpu.memref_slice %arg6[%dma_wait3A_105, %dma_wait3A_106] : memref<10008x128xf32, #tpu.memory_space<vmem_shared>> -> memref<10008x128xf32, #tpu.memory_space<vmem_shared>>
        tpu.wait_indirect_dma semaphore(%run_scoped3A_95 : memref<!tpu.dma_semaphore, #tpu.memory_space<semaphore_mem>>) src(%arg10 : memref<128x128xf32, #tpu.memory_space<vmem>>) dst(%dma_wait3A_107 : memref<10008x128xf32, #tpu.memory_space<vmem_shared>>)
        tpu.yield
      }) : () -> ()
      %add3A_85 = arith.constant 3 : i32
      %add3A_86 = arith.addi %mul3A_58, %add3A_85 : i32
      %add3A_87 = arith.addi %mul3A_2, %add3A_86 : i32
      "tpu.region"() ({
        %run_scoped3A_95 = tpu.sem_alloc : memref<!tpu.dma_semaphore, #tpu.memory_space<semaphore_mem>>
        %dma_start3A_96 = arith.constant 0 : i32
        %dma_start3A_97 = arith.constant 0 : i32
        %dma_start3A_98 = tpu.memref_slice %arg3[%add3A_87, %dma_start3A_96, %dma_start3A_97] : memref<2560x2x128xi32, #tpu.memory_space<hbm>> -> memref<1x2x128xi32, #tpu.memory_space<hbm>>
        %dma_start3A_99 = tpu.memref_squeeze %dma_start3A_98 : memref<1x2x128xi32, #tpu.memory_space<hbm>> -> memref<2x128xi32, #tpu.memory_space<hbm>>
        %dma_start3A_100 = arith.constant 0 : i32
        %dma_start3A_101 = arith.constant 0 : i32
        %dma_start3A_102 = tpu.memref_slice %arg3[%add3A_87, %dma_start3A_100, %dma_start3A_101] : memref<2560x2x128xi32, #tpu.memory_space<hbm>> -> memref<1x2x128xi32, #tpu.memory_space<hbm>>
        %dma_start3A_103 = tpu.memref_squeeze %dma_start3A_102 : memref<1x2x128xi32, #tpu.memory_space<hbm>> -> memref<2x128xi32, #tpu.memory_space<hbm>>
        tpu.enqueue_dma source(%dma_start3A_103 : memref<2x128xi32, #tpu.memory_space<hbm>>) target(%arg8 : memref<2x128xi32, #tpu.memory_space<vmem>>) target_semaphore(%run_scoped3A_95 : memref<!tpu.dma_semaphore, #tpu.memory_space<semaphore_mem>>)
        %dma_wait3A_104 = arith.constant 0 : i32
        %dma_wait3A_105 = arith.constant 0 : i32
        %dma_wait3A_106 = tpu.memref_slice %arg3[%add3A_87, %dma_wait3A_104, %dma_wait3A_105] : memref<2560x2x128xi32, #tpu.memory_space<hbm>> -> memref<1x2x128xi32, #tpu.memory_space<hbm>>
        %dma_wait3A_107 = tpu.memref_squeeze %dma_wait3A_106 : memref<1x2x128xi32, #tpu.memory_space<hbm>> -> memref<2x128xi32, #tpu.memory_space<hbm>>
        %dma_wait3A_108 = arith.constant 0 : i32
        %dma_wait3A_109 = arith.constant 0 : i32
        %dma_wait3A_110 = tpu.memref_slice %arg3[%add3A_87, %dma_wait3A_108, %dma_wait3A_109] : memref<2560x2x128xi32, #tpu.memory_space<hbm>> -> memref<1x2x128xi32, #tpu.memory_space<hbm>>
        %dma_wait3A_111 = tpu.memref_squeeze %dma_wait3A_110 : memref<1x2x128xi32, #tpu.memory_space<hbm>> -> memref<2x128xi32, #tpu.memory_space<hbm>>
        tpu.wait_dma2 semaphore(%run_scoped3A_95 : memref<!tpu.dma_semaphore, #tpu.memory_space<semaphore_mem>>) src(%dma_wait3A_111 : memref<2x128xi32, #tpu.memory_space<hbm>>) dst(%arg8 : memref<2x128xi32, #tpu.memory_space<vmem>>)
        tpu.yield
      }) : () -> ()
      %dma_start3A_88 = arith.constant 0 : i32
      %dma_start3A_89 = arith.constant 0 : i32
      %dma_start3A_90 = tpu.memref_slice %arg8[%dma_start3A_88, %dma_start3A_89] : memref<2x128xi32, #tpu.memory_space<vmem>> -> memref<1x128xi32, #tpu.memory_space<vmem>>
      %dma_start3A_91 = tpu.memref_squeeze %dma_start3A_90 : memref<1x128xi32, #tpu.memory_space<vmem>> -> memref<128xi32, #tpu.memory_space<vmem>>
      %dma_start3A_92 = arith.constant 0 : i32
      %dma_start3A_93 = arith.constant 0 : i32
      %dma_start3A_94 = tpu.memref_slice %arg2[%dma_start3A_92, %dma_start3A_93] : memref<10000x128xf32, #tpu.memory_space<hbm>> -> memref<10000x128xf32, #tpu.memory_space<hbm>>
      tpu.enqueue_indirect_dma source(%dma_start3A_94 : memref<10000x128xf32, #tpu.memory_space<hbm>>) target(%arg10 : memref<128x128xf32, #tpu.memory_space<vmem>>) offsets(%dma_start3A_91 : memref<128xi32, #tpu.memory_space<vmem>>) semaphore(%arg12 : memref<!tpu.dma_semaphore, #tpu.memory_space<semaphore_mem>>)
    }
    %scan3A_30 = arith.constant 39 : i32
    %dma_wait3A = arith.constant 0 : i32
    %dma_wait3A_31 = arith.constant 0 : i32
    %dma_wait3A_32 = tpu.memref_slice %arg7[%dma_wait3A, %dma_wait3A_31] : memref<2x128xi32, #tpu.memory_space<vmem>> -> memref<1x128xi32, #tpu.memory_space<vmem>>
    %dma_wait3A_33 = tpu.memref_squeeze %dma_wait3A_32 : memref<1x128xi32, #tpu.memory_space<vmem>> -> memref<128xi32, #tpu.memory_space<vmem>>
    %dma_wait3A_34 = arith.constant 0 : i32
    %dma_wait3A_35 = arith.constant 0 : i32
    %dma_wait3A_36 = tpu.memref_slice %arg2[%dma_wait3A_34, %dma_wait3A_35] : memref<10000x128xf32, #tpu.memory_space<hbm>> -> memref<10000x128xf32, #tpu.memory_space<hbm>>
    tpu.wait_indirect_dma semaphore(%arg11 : memref<!tpu.dma_semaphore, #tpu.memory_space<semaphore_mem>>) src(%dma_wait3A_36 : memref<10000x128xf32, #tpu.memory_space<hbm>>) dst(%arg9 : memref<128x128xf32, #tpu.memory_space<vmem>>)
    %run_scoped3A = arith.constant 1 : i32
    "tpu.region"() ({
      %run_scoped3A_56 = tpu.sem_alloc : memref<!tpu.dma_semaphore, #tpu.memory_space<semaphore_mem>>
      %dma_start3A_57 = arith.constant 0 : i32
      %dma_start3A_58 = tpu.memref_slice %arg7[%run_scoped3A, %dma_start3A_57] : memref<2x128xi32, #tpu.memory_space<vmem>> -> memref<1x128xi32, #tpu.memory_space<vmem>>
      %dma_start3A_59 = tpu.memref_squeeze %dma_start3A_58 : memref<1x128xi32, #tpu.memory_space<vmem>> -> memref<128xi32, #tpu.memory_space<vmem>>
      %dma_start3A_60 = arith.constant 0 : i32
      %dma_start3A_61 = arith.constant 0 : i32
      %dma_start3A_62 = tpu.memref_slice %arg6[%dma_start3A_60, %dma_start3A_61] : memref<10008x128xf32, #tpu.memory_space<vmem_shared>> -> memref<10008x128xf32, #tpu.memory_space<vmem_shared>>
      tpu.enqueue_indirect_dma source(%arg9 : memref<128x128xf32, #tpu.memory_space<vmem>>) target(%dma_start3A_62 : memref<10008x128xf32, #tpu.memory_space<vmem_shared>>) offsets(%dma_start3A_59 : memref<128xi32, #tpu.memory_space<vmem>>) semaphore(%run_scoped3A_56 : memref<!tpu.dma_semaphore, #tpu.memory_space<semaphore_mem>>) {add = true}
      %dma_wait3A_63 = arith.constant 0 : i32
      %dma_wait3A_64 = tpu.memref_slice %arg7[%run_scoped3A, %dma_wait3A_63] : memref<2x128xi32, #tpu.memory_space<vmem>> -> memref<1x128xi32, #tpu.memory_space<vmem>>
      %dma_wait3A_65 = tpu.memref_squeeze %dma_wait3A_64 : memref<1x128xi32, #tpu.memory_space<vmem>> -> memref<128xi32, #tpu.memory_space<vmem>>
      %dma_wait3A_66 = arith.constant 0 : i32
      %dma_wait3A_67 = arith.constant 0 : i32
      %dma_wait3A_68 = tpu.memref_slice %arg6[%dma_wait3A_66, %dma_wait3A_67] : memref<10008x128xf32, #tpu.memory_space<vmem_shared>> -> memref<10008x128xf32, #tpu.memory_space<vmem_shared>>
      tpu.wait_indirect_dma semaphore(%run_scoped3A_56 : memref<!tpu.dma_semaphore, #tpu.memory_space<semaphore_mem>>) src(%arg9 : memref<128x128xf32, #tpu.memory_space<vmem>>) dst(%dma_wait3A_68 : memref<10008x128xf32, #tpu.memory_space<vmem_shared>>)
      tpu.yield
    }) : () -> ()
    %dma_wait3A_37 = arith.constant 0 : i32
    %dma_wait3A_38 = arith.constant 0 : i32
    %dma_wait3A_39 = tpu.memref_slice %arg8[%dma_wait3A_37, %dma_wait3A_38] : memref<2x128xi32, #tpu.memory_space<vmem>> -> memref<1x128xi32, #tpu.memory_space<vmem>>
    %dma_wait3A_40 = tpu.memref_squeeze %dma_wait3A_39 : memref<1x128xi32, #tpu.memory_space<vmem>> -> memref<128xi32, #tpu.memory_space<vmem>>
    %dma_wait3A_41 = arith.constant 0 : i32
    %dma_wait3A_42 = arith.constant 0 : i32
    %dma_wait3A_43 = tpu.memref_slice %arg2[%dma_wait3A_41, %dma_wait3A_42] : memref<10000x128xf32, #tpu.memory_space<hbm>> -> memref<10000x128xf32, #tpu.memory_space<hbm>>
    tpu.wait_indirect_dma semaphore(%arg12 : memref<!tpu.dma_semaphore, #tpu.memory_space<semaphore_mem>>) src(%dma_wait3A_43 : memref<10000x128xf32, #tpu.memory_space<hbm>>) dst(%arg10 : memref<128x128xf32, #tpu.memory_space<vmem>>)
    %run_scoped3A_44 = arith.constant 1 : i32
    "tpu.region"() ({
      %run_scoped3A_56 = tpu.sem_alloc : memref<!tpu.dma_semaphore, #tpu.memory_space<semaphore_mem>>
      %dma_start3A_57 = arith.constant 0 : i32
      %dma_start3A_58 = tpu.memref_slice %arg8[%run_scoped3A_44, %dma_start3A_57] : memref<2x128xi32, #tpu.memory_space<vmem>> -> memref<1x128xi32, #tpu.memory_space<vmem>>
      %dma_start3A_59 = tpu.memref_squeeze %dma_start3A_58 : memref<1x128xi32, #tpu.memory_space<vmem>> -> memref<128xi32, #tpu.memory_space<vmem>>
      %dma_start3A_60 = arith.constant 0 : i32
      %dma_start3A_61 = arith.constant 0 : i32
      %dma_start3A_62 = tpu.memref_slice %arg6[%dma_start3A_60, %dma_start3A_61] : memref<10008x128xf32, #tpu.memory_space<vmem_shared>> -> memref<10008x128xf32, #tpu.memory_space<vmem_shared>>
      tpu.enqueue_indirect_dma source(%arg10 : memref<128x128xf32, #tpu.memory_space<vmem>>) target(%dma_start3A_62 : memref<10008x128xf32, #tpu.memory_space<vmem_shared>>) offsets(%dma_start3A_59 : memref<128xi32, #tpu.memory_space<vmem>>) semaphore(%run_scoped3A_56 : memref<!tpu.dma_semaphore, #tpu.memory_space<semaphore_mem>>) {add = true}
      %dma_wait3A_63 = arith.constant 0 : i32
      %dma_wait3A_64 = tpu.memref_slice %arg8[%run_scoped3A_44, %dma_wait3A_63] : memref<2x128xi32, #tpu.memory_space<vmem>> -> memref<1x128xi32, #tpu.memory_space<vmem>>
      %dma_wait3A_65 = tpu.memref_squeeze %dma_wait3A_64 : memref<1x128xi32, #tpu.memory_space<vmem>> -> memref<128xi32, #tpu.memory_space<vmem>>
      %dma_wait3A_66 = arith.constant 0 : i32
      %dma_wait3A_67 = arith.constant 0 : i32
      %dma_wait3A_68 = tpu.memref_slice %arg6[%dma_wait3A_66, %dma_wait3A_67] : memref<10008x128xf32, #tpu.memory_space<vmem_shared>> -> memref<10008x128xf32, #tpu.memory_space<vmem_shared>>
      tpu.wait_indirect_dma semaphore(%run_scoped3A_56 : memref<!tpu.dma_semaphore, #tpu.memory_space<semaphore_mem>>) src(%arg10 : memref<128x128xf32, #tpu.memory_space<vmem>>) dst(%dma_wait3A_68 : memref<10008x128xf32, #tpu.memory_space<vmem_shared>>)
      tpu.yield
    }) : () -> ()
    %barrier3A_45 = arith.constant 0 : index
    tpu.barrier barrier_id(%barrier3A_45)
    %lt3A_46 = arith.constant 15 : i32
    %lt3A_47 = arith.cmpi slt, %arg1, %lt3A_46 : i32
    %convert_element_type3A_48 = arith.extui %lt3A_47 : i1 to i32
    %cond3A_49 = arith.constant 0 : i32
    %cond3A_50 = arith.cmpi ne, %convert_element_type3A_48, %cond3A_49 : i32
    scf.if %cond3A_50 {
      %mul3A_56 = arith.constant 632 : i32
      %mul3A_57 = arith.muli %arg1, %mul3A_56 : i32
      %mul3A_58 = arith.constant 632 : i32
      %mul3A_59 = arith.muli %arg1, %mul3A_58 : i32
      "tpu.region"() ({
        %run_scoped3A_60 = tpu.sem_alloc : memref<!tpu.dma_semaphore, #tpu.memory_space<semaphore_mem>>
        %dma_start3A_61 = arith.constant 0 : i32
        %dma_start3A_62 = tpu.memref_slice %arg5[%arg0, %mul3A_59, %dma_start3A_61] : memref<2x10008x128xf32, #tpu.memory_space<hbm>> -> memref<1x632x128xf32, #tpu.memory_space<hbm>>
        %dma_start3A_63 = tpu.memref_squeeze %dma_start3A_62 : memref<1x632x128xf32, #tpu.memory_space<hbm>> -> memref<632x128xf32, #tpu.memory_space<hbm>>
        %dma_start3A_64 = arith.constant 0 : i32
        %dma_start3A_65 = tpu.memref_slice %arg6[%mul3A_57, %dma_start3A_64] : memref<10008x128xf32, #tpu.memory_space<vmem_shared>> -> memref<632x128xf32, #tpu.memory_space<vmem_shared>>
        tpu.enqueue_dma source(%dma_start3A_65 : memref<632x128xf32, #tpu.memory_space<vmem_shared>>) target(%dma_start3A_63 : memref<632x128xf32, #tpu.memory_space<hbm>>) target_semaphore(%run_scoped3A_60 : memref<!tpu.dma_semaphore, #tpu.memory_space<semaphore_mem>>)
        %dma_wait3A_66 = arith.constant 0 : i32
        %dma_wait3A_67 = tpu.memref_slice %arg5[%arg0, %mul3A_59, %dma_wait3A_66] : memref<2x10008x128xf32, #tpu.memory_space<hbm>> -> memref<1x632x128xf32, #tpu.memory_space<hbm>>
        %dma_wait3A_68 = tpu.memref_squeeze %dma_wait3A_67 : memref<1x632x128xf32, #tpu.memory_space<hbm>> -> memref<632x128xf32, #tpu.memory_space<hbm>>
        %dma_wait3A_69 = arith.constant 0 : i32
        %dma_wait3A_70 = tpu.memref_slice %arg6[%mul3A_57, %dma_wait3A_69] : memref<10008x128xf32, #tpu.memory_space<vmem_shared>> -> memref<632x128xf32, #tpu.memory_space<vmem_shared>>
        tpu.wait_dma2 semaphore(%run_scoped3A_60 : memref<!tpu.dma_semaphore, #tpu.memory_space<semaphore_mem>>) src(%dma_wait3A_70 : memref<632x128xf32, #tpu.memory_space<vmem_shared>>) dst(%dma_wait3A_68 : memref<632x128xf32, #tpu.memory_space<hbm>>)
        tpu.yield
      }) : () -> ()
    } else {
    }
    %eq3A_51 = arith.constant 15 : i32
    %eq3A_52 = arith.cmpi eq, %arg1, %eq3A_51 : i32
    %convert_element_type3A_53 = arith.extui %eq3A_52 : i1 to i32
    %cond3A_54 = arith.constant 0 : i32
    %cond3A_55 = arith.cmpi ne, %convert_element_type3A_53, %cond3A_54 : i32
    scf.if %cond3A_55 {
      "tpu.region"() ({
        %run_scoped3A_56 = tpu.sem_alloc : memref<!tpu.dma_semaphore, #tpu.memory_space<semaphore_mem>>
        %dma_start3A_57 = arith.constant 9480 : i32
        %dma_start3A_58 = arith.constant 0 : i32
        %dma_start3A_59 = tpu.memref_slice %arg5[%arg0, %dma_start3A_57, %dma_start3A_58] : memref<2x10008x128xf32, #tpu.memory_space<hbm>> -> memref<1x528x128xf32, #tpu.memory_space<hbm>>
        %dma_start3A_60 = tpu.memref_squeeze %dma_start3A_59 : memref<1x528x128xf32, #tpu.memory_space<hbm>> -> memref<528x128xf32, #tpu.memory_space<hbm>>
        %dma_start3A_61 = arith.constant 9480 : i32
        %dma_start3A_62 = arith.constant 0 : i32
        %dma_start3A_63 = tpu.memref_slice %arg6[%dma_start3A_61, %dma_start3A_62] : memref<10008x128xf32, #tpu.memory_space<vmem_shared>> -> memref<528x128xf32, #tpu.memory_space<vmem_shared>>
        tpu.enqueue_dma source(%dma_start3A_63 : memref<528x128xf32, #tpu.memory_space<vmem_shared>>) target(%dma_start3A_60 : memref<528x128xf32, #tpu.memory_space<hbm>>) target_semaphore(%run_scoped3A_56 : memref<!tpu.dma_semaphore, #tpu.memory_space<semaphore_mem>>)
        %dma_wait3A_64 = arith.constant 9480 : i32
        %dma_wait3A_65 = arith.constant 0 : i32
        %dma_wait3A_66 = tpu.memref_slice %arg5[%arg0, %dma_wait3A_64, %dma_wait3A_65] : memref<2x10008x128xf32, #tpu.memory_space<hbm>> -> memref<1x528x128xf32, #tpu.memory_space<hbm>>
        %dma_wait3A_67 = tpu.memref_squeeze %dma_wait3A_66 : memref<1x528x128xf32, #tpu.memory_space<hbm>> -> memref<528x128xf32, #tpu.memory_space<hbm>>
        %dma_wait3A_68 = arith.constant 9480 : i32
        %dma_wait3A_69 = arith.constant 0 : i32
        %dma_wait3A_70 = tpu.memref_slice %arg6[%dma_wait3A_68, %dma_wait3A_69] : memref<10008x128xf32, #tpu.memory_space<vmem_shared>> -> memref<528x128xf32, #tpu.memory_space<vmem_shared>>
        tpu.wait_dma2 semaphore(%run_scoped3A_56 : memref<!tpu.dma_semaphore, #tpu.memory_space<semaphore_mem>>) src(%dma_wait3A_70 : memref<528x128xf32, #tpu.memory_space<vmem_shared>>) dst(%dma_wait3A_67 : memref<528x128xf32, #tpu.memory_space<hbm>>)
        tpu.yield
      }) : () -> ()
    } else {
    }
    return
  }
}

module attributes {stable_mosaic.version = 14 : i64} {
  func.func @_tc_matmul(%arg0: i32, %arg1: memref<400x128xf32, #tpu.memory_space<vmem>>, %arg2: memref<128x128xf32, #tpu.memory_space<vmem>>, %arg3: memref<400x128xf32, #tpu.memory_space<vmem>>) attributes {dimension_semantics = [#tpu.dimension_semantics<arbitrary>], iteration_bounds = array<i64: 25>, scalar_prefetch = 0 : i64, scratch_operands = 0 : i64, tpu.core_type = #tpu.core_type<tc>, window_params = [{transform_indices = @transform_0, window_bounds = array<i64: 400, 128>}, {pipeline_mode = #tpu.pipeline_mode<synchronous>, transform_indices = @transform_1, window_bounds = array<i64: 128, 128>}, {transform_indices = @transform_2, window_bounds = array<i64: 400, 128>}]} {
    %get3A = arith.constant 0 : index
    %get3A_0 = arith.constant 0 : index
    %get3A_1 = vector.load %arg1[%get3A, %get3A_0] : memref<400x128xf32, #tpu.memory_space<vmem>>, vector<400x128xf32>
    %get3A_2 = arith.constant 0 : index
    %get3A_3 = arith.constant 0 : index
    %get3A_4 = vector.load %arg2[%get3A_2, %get3A_3] : memref<128x128xf32, #tpu.memory_space<vmem>>, vector<128x128xf32>
    %dot_general3A = arith.constant dense<0.000000e+00> : vector<400x128xf32>
    %dot_general3A_5 = tpu.matmul %get3A_1, %get3A_4, %dot_general3A {dimension_numbers = #tpu.dot_dimension_numbers<[1], [0], [0], [1], [0, 0, 1, 1], [], []>, precision = #tpu.contract_precision<fp32>, transpose_lhs_hint = false} : vector<400x128xf32>, vector<128x128xf32>, vector<400x128xf32> -> vector<400x128xf32>
    %swap3A = arith.constant 0 : index
    %swap3A_6 = arith.constant 0 : index
    %swap3A_7 = vector.load %arg3[%swap3A, %swap3A_6] : memref<400x128xf32, #tpu.memory_space<vmem>>, vector<400x128xf32>
    tpu.vector_store %arg3[%swap3A, %swap3A_6], %dot_general3A_5 {strides = array<i32>} : memref<400x128xf32, #tpu.memory_space<vmem>>, vector<400x128xf32>,
    return
  }
  func.func @transform_0(%arg0: i32) -> (i32, i32) {
    %c0_i32 = arith.constant 0 : i32
    %c0_i32_0 = arith.constant 0 : i32
    return %arg0, %c0_i32 : i32, i32
  }
  func.func @transform_1(%arg0: i32) -> (i32, i32) {
    %c0_i32 = arith.constant 0 : i32
    %c0_i32_0 = arith.constant 0 : i32
    %c0_i32_1 = arith.constant 0 : i32
    return %c0_i32, %c0_i32_0 : i32, i32
  }
  func.func @transform_2(%arg0: i32) -> (i32, i32) {
    %c0_i32 = arith.constant 0 : i32
    %c0_i32_0 = arith.constant 0 : i32
    return %arg0, %c0_i32 : i32, i32
  }
}

module attributes {stable_mosaic.version = 14 : i64} {
  func.func @_tc_scale(%arg0: i32, %arg1: memref<400x128xf32, #tpu.memory_space<vmem>>, %arg2: memref<2x400x128xf32, #tpu.memory_space<vmem>>, %arg3: memref<400x128xf32, #tpu.memory_space<vmem>>) attributes {dimension_semantics = [#tpu.dimension_semantics<arbitrary>], iteration_bounds = array<i64: 25>, scalar_prefetch = 0 : i64, scratch_operands = 0 : i64, tpu.core_type = #tpu.core_type<tc>, window_params = [{transform_indices = @transform_0, window_bounds = array<i64: 400, 128>}, {transform_indices = @transform_1, window_bounds = array<i64: 2, 400, 128>}, {transform_indices = @transform_2, window_bounds = array<i64: 400, 128>}]} {
    %get3A = arith.constant 0 : index
    %get3A_0 = arith.constant 0 : index
    %get3A_1 = arith.constant 0 : index
    %get3A_2 = vector.load %arg2[%get3A, %get3A_0, %get3A_1] : memref<2x400x128xf32, #tpu.memory_space<vmem>>, vector<1x400x128xf32>
    %get3A_3 = vector.shape_cast %get3A_2 : vector<1x400x128xf32> to vector<400x128xf32>
    %slice3A = vector.extract_strided_slice %get3A_3 {offsets = [0, 0], sizes = [400, 1], strides = [1, 1]} : vector<400x128xf32> to vector<400x1xf32>
    %get3A_4 = arith.constant 1 : index
    %get3A_5 = arith.constant 0 : index
    %get3A_6 = arith.constant 0 : index
    %get3A_7 = vector.load %arg2[%get3A_4, %get3A_5, %get3A_6] : memref<2x400x128xf32, #tpu.memory_space<vmem>>, vector<1x400x128xf32>
    %get3A_8 = vector.shape_cast %get3A_7 : vector<1x400x128xf32> to vector<400x128xf32>
    %slice3A_9 = vector.extract_strided_slice %get3A_8 {offsets = [0, 0], sizes = [400, 1], strides = [1, 1]} : vector<400x128xf32> to vector<400x1xf32>
    %add3A = arith.addf %slice3A, %slice3A_9 : vector<400x1xf32>
    %add3A_10 = arith.constant 1.000000e+00 : f32
    %add3A_11 = vector.broadcast %add3A_10 : f32 to vector<400x1xf32>
    %add3A_12 = arith.addf %add3A, %add3A_11 : vector<400x1xf32>
    %rsqrt3A = math.rsqrt %add3A_12 : vector<400x1xf32>
    %get3A_13 = arith.constant 0 : index
    %get3A_14 = arith.constant 0 : index
    %get3A_15 = vector.load %arg1[%get3A_13, %get3A_14] : memref<400x128xf32, #tpu.memory_space<vmem>>, vector<400x128xf32>
    %mul3A = vector.broadcast %rsqrt3A : vector<400x1xf32> to vector<400x128xf32>
    %mul3A_16 = arith.mulf %get3A_15, %mul3A : vector<400x128xf32>
    %swap3A = arith.constant 0 : index
    %swap3A_17 = arith.constant 0 : index
    %swap3A_18 = vector.load %arg3[%swap3A, %swap3A_17] : memref<400x128xf32, #tpu.memory_space<vmem>>, vector<400x128xf32>
    tpu.vector_store %arg3[%swap3A, %swap3A_17], %mul3A_16 {strides = array<i32>} : memref<400x128xf32, #tpu.memory_space<vmem>>, vector<400x128xf32>,
    return
  }
  func.func @transform_0(%arg0: i32) -> (i32, i32) {
    %c0_i32 = arith.constant 0 : i32
    %c0_i32_0 = arith.constant 0 : i32
    return %arg0, %c0_i32 : i32, i32
  }
  func.func @transform_1(%arg0: i32) -> (i32, i32, i32) {
    %c0_i32 = arith.constant 0 : i32
    %c0_i32_0 = arith.constant 0 : i32
    %c0_i32_1 = arith.constant 0 : i32
    return %c0_i32, %arg0, %c0_i32_0 : i32, i32, i32
  }
  func.func @transform_2(%arg0: i32) -> (i32, i32) {
    %c0_i32 = arith.constant 0 : i32
    %c0_i32_0 = arith.constant 0 : i32
    return %arg0, %c0_i32 : i32, i32
  }
}

module attributes {stable_mosaic.version = 14 : i64} {
  func.func @_tc_mid(%arg0: i32, %arg1: memref<2x400x128xf32, #tpu.memory_space<vmem>>, %arg2: memref<400x128xf32, #tpu.memory_space<vmem>>, %arg3: memref<2x400x128xf32, #tpu.memory_space<vmem>>, %arg4: memref<1x128xf32, #tpu.memory_space<vmem>>, %arg5: memref<128x128xf32, #tpu.memory_space<vmem>>, %arg6: memref<400x128xf32, #tpu.memory_space<vmem>>) attributes {dimension_semantics = [#tpu.dimension_semantics<arbitrary>], iteration_bounds = array<i64: 25>, scalar_prefetch = 0 : i64, scratch_operands = 0 : i64, tpu.core_type = #tpu.core_type<tc>, window_params = [{transform_indices = @transform_0, window_bounds = array<i64: 2, 400, 128>}, {transform_indices = @transform_1, window_bounds = array<i64: 400, 128>}, {transform_indices = @transform_2, window_bounds = array<i64: 2, 400, 128>}, {pipeline_mode = #tpu.pipeline_mode<synchronous>, transform_indices = @transform_3, window_bounds = array<i64: 1, 128>}, {pipeline_mode = #tpu.pipeline_mode<synchronous>, transform_indices = @transform_4, window_bounds = array<i64: 128, 128>}, {transform_indices = @transform_5, window_bounds = array<i64: 400, 128>}]} {
    %get3A = arith.constant 0 : index
    %get3A_0 = arith.constant 0 : index
    %get3A_1 = arith.constant 0 : index
    %get3A_2 = vector.load %arg3[%get3A, %get3A_0, %get3A_1] : memref<2x400x128xf32, #tpu.memory_space<vmem>>, vector<1x400x128xf32>
    %get3A_3 = vector.shape_cast %get3A_2 : vector<1x400x128xf32> to vector<400x128xf32>
    %slice3A = vector.extract_strided_slice %get3A_3 {offsets = [0, 0], sizes = [400, 1], strides = [1, 1]} : vector<400x128xf32> to vector<400x1xf32>
    %get3A_4 = arith.constant 1 : index
    %get3A_5 = arith.constant 0 : index
    %get3A_6 = arith.constant 0 : index
    %get3A_7 = vector.load %arg3[%get3A_4, %get3A_5, %get3A_6] : memref<2x400x128xf32, #tpu.memory_space<vmem>>, vector<1x400x128xf32>
    %get3A_8 = vector.shape_cast %get3A_7 : vector<1x400x128xf32> to vector<400x128xf32>
    %slice3A_9 = vector.extract_strided_slice %get3A_8 {offsets = [0, 0], sizes = [400, 1], strides = [1, 1]} : vector<400x128xf32> to vector<400x1xf32>
    %add3A = arith.addf %slice3A, %slice3A_9 : vector<400x1xf32>
    %add3A_10 = arith.constant 1.000000e+00 : f32
    %add3A_11 = vector.broadcast %add3A_10 : f32 to vector<400x1xf32>
    %add3A_12 = arith.addf %add3A, %add3A_11 : vector<400x1xf32>
    %rsqrt3A = math.rsqrt %add3A_12 : vector<400x1xf32>
    %get3A_13 = arith.constant 0 : index
    %get3A_14 = arith.constant 0 : index
    %get3A_15 = arith.constant 0 : index
    %get3A_16 = vector.load %arg1[%get3A_13, %get3A_14, %get3A_15] : memref<2x400x128xf32, #tpu.memory_space<vmem>>, vector<1x400x128xf32>
    %get3A_17 = vector.shape_cast %get3A_16 : vector<1x400x128xf32> to vector<400x128xf32>
    %get3A_18 = arith.constant 1 : index
    %get3A_19 = arith.constant 0 : index
    %get3A_20 = arith.constant 0 : index
    %get3A_21 = vector.load %arg1[%get3A_18, %get3A_19, %get3A_20] : memref<2x400x128xf32, #tpu.memory_space<vmem>>, vector<1x400x128xf32>
    %get3A_22 = vector.shape_cast %get3A_21 : vector<1x400x128xf32> to vector<400x128xf32>
    %add3A_23 = arith.addf %get3A_17, %get3A_22 : vector<400x128xf32>
    %get3A_24 = arith.constant 0 : index
    %get3A_25 = arith.constant 0 : index
    %get3A_26 = vector.load %arg2[%get3A_24, %get3A_25] : memref<400x128xf32, #tpu.memory_space<vmem>>, vector<400x128xf32>
    %add3A_27 = arith.addf %add3A_23, %get3A_26 : vector<400x128xf32>
    %mul3A = vector.broadcast %rsqrt3A : vector<400x1xf32> to vector<400x128xf32>
    %mul3A_28 = arith.mulf %mul3A, %add3A_27 : vector<400x128xf32>
    %get3A_29 = arith.constant 0 : index
    %get3A_30 = arith.constant 0 : index
    %get3A_31 = vector.load %arg4[%get3A_29, %get3A_30] : memref<1x128xf32, #tpu.memory_space<vmem>>, vector<1x128xf32>
    %add3A_32 = vector.broadcast %get3A_31 : vector<1x128xf32> to vector<400x128xf32>
    %add3A_33 = arith.addf %mul3A_28, %add3A_32 : vector<400x128xf32>
    %max3A = arith.constant 0.000000e+00 : f32
    %max3A_34 = vector.broadcast %max3A : f32 to vector<400x128xf32>
    %max3A_35 = arith.maximumf %add3A_33, %max3A_34 : vector<400x128xf32>
    %get3A_36 = arith.constant 0 : index
    %get3A_37 = arith.constant 0 : index
    %get3A_38 = vector.load %arg5[%get3A_36, %get3A_37] : memref<128x128xf32, #tpu.memory_space<vmem>>, vector<128x128xf32>
    %dot_general3A = arith.constant dense<0.000000e+00> : vector<400x128xf32>
    %dot_general3A_39 = tpu.matmul %max3A_35, %get3A_38, %dot_general3A {dimension_numbers = #tpu.dot_dimension_numbers<[1], [0], [0], [1], [0, 0, 1, 1], [], []>, precision = #tpu.contract_precision<fp32>, transpose_lhs_hint = false} : vector<400x128xf32>, vector<128x128xf32>, vector<400x128xf32> -> vector<400x128xf32>
    %mul3A_40 = vector.broadcast %rsqrt3A : vector<400x1xf32> to vector<400x128xf32>
    %mul3A_41 = arith.mulf %dot_general3A_39, %mul3A_40 : vector<400x128xf32>
    %swap3A = arith.constant 0 : index
    %swap3A_42 = arith.constant 0 : index
    %swap3A_43 = vector.load %arg6[%swap3A, %swap3A_42] : memref<400x128xf32, #tpu.memory_space<vmem>>, vector<400x128xf32>
    tpu.vector_store %arg6[%swap3A, %swap3A_42], %mul3A_41 {strides = array<i32>} : memref<400x128xf32, #tpu.memory_space<vmem>>, vector<400x128xf32>,
    return
  }
  func.func @transform_0(%arg0: i32) -> (i32, i32, i32) {
    %c0_i32 = arith.constant 0 : i32
    %c0_i32_0 = arith.constant 0 : i32
    %c0_i32_1 = arith.constant 0 : i32
    return %c0_i32, %arg0, %c0_i32_0 : i32, i32, i32
  }
  func.func @transform_1(%arg0: i32) -> (i32, i32) {
    %c0_i32 = arith.constant 0 : i32
    %c0_i32_0 = arith.constant 0 : i32
    return %arg0, %c0_i32 : i32, i32
  }
  func.func @transform_2(%arg0: i32) -> (i32, i32, i32) {
    %c0_i32 = arith.constant 0 : i32
    %c0_i32_0 = arith.constant 0 : i32
    %c0_i32_1 = arith.constant 0 : i32
    return %c0_i32, %arg0, %c0_i32_0 : i32, i32, i32
  }
  func.func @transform_3(%arg0: i32) -> (i32, i32) {
    %c0_i32 = arith.constant 0 : i32
    %c0_i32_0 = arith.constant 0 : i32
    %c0_i32_1 = arith.constant 0 : i32
    return %c0_i32, %c0_i32_0 : i32, i32
  }
  func.func @transform_4(%arg0: i32) -> (i32, i32) {
    %c0_i32 = arith.constant 0 : i32
    %c0_i32_0 = arith.constant 0 : i32
    %c0_i32_1 = arith.constant 0 : i32
    return %c0_i32, %c0_i32_0 : i32, i32
  }
  func.func @transform_5(%arg0: i32) -> (i32, i32) {
    %c0_i32 = arith.constant 0 : i32
    %c0_i32_0 = arith.constant 0 : i32
    return %arg0, %c0_i32 : i32, i32
  }
}

module attributes {stable_mosaic.version = 14 : i64} {
  func.func @_tc_last(%arg0: i32, %arg1: memref<2x400x128xf32, #tpu.memory_space<vmem>>, %arg2: memref<400x128xf32, #tpu.memory_space<vmem>>, %arg3: memref<2x400x128xf32, #tpu.memory_space<vmem>>, %arg4: memref<1x128xf32, #tpu.memory_space<vmem>>, %arg5: memref<400x128xf32, #tpu.memory_space<vmem>>) attributes {dimension_semantics = [#tpu.dimension_semantics<arbitrary>], iteration_bounds = array<i64: 25>, scalar_prefetch = 0 : i64, scratch_operands = 0 : i64, tpu.core_type = #tpu.core_type<tc>, window_params = [{transform_indices = @transform_0, window_bounds = array<i64: 2, 400, 128>}, {transform_indices = @transform_1, window_bounds = array<i64: 400, 128>}, {transform_indices = @transform_2, window_bounds = array<i64: 2, 400, 128>}, {pipeline_mode = #tpu.pipeline_mode<synchronous>, transform_indices = @transform_3, window_bounds = array<i64: 1, 128>}, {transform_indices = @transform_4, window_bounds = array<i64: 400, 128>}]} {
    %get3A = arith.constant 0 : index
    %get3A_0 = arith.constant 0 : index
    %get3A_1 = arith.constant 0 : index
    %get3A_2 = vector.load %arg3[%get3A, %get3A_0, %get3A_1] : memref<2x400x128xf32, #tpu.memory_space<vmem>>, vector<1x400x128xf32>
    %get3A_3 = vector.shape_cast %get3A_2 : vector<1x400x128xf32> to vector<400x128xf32>
    %slice3A = vector.extract_strided_slice %get3A_3 {offsets = [0, 0], sizes = [400, 1], strides = [1, 1]} : vector<400x128xf32> to vector<400x1xf32>
    %get3A_4 = arith.constant 1 : index
    %get3A_5 = arith.constant 0 : index
    %get3A_6 = arith.constant 0 : index
    %get3A_7 = vector.load %arg3[%get3A_4, %get3A_5, %get3A_6] : memref<2x400x128xf32, #tpu.memory_space<vmem>>, vector<1x400x128xf32>
    %get3A_8 = vector.shape_cast %get3A_7 : vector<1x400x128xf32> to vector<400x128xf32>
    %slice3A_9 = vector.extract_strided_slice %get3A_8 {offsets = [0, 0], sizes = [400, 1], strides = [1, 1]} : vector<400x128xf32> to vector<400x1xf32>
    %add3A = arith.addf %slice3A, %slice3A_9 : vector<400x1xf32>
    %add3A_10 = arith.constant 1.000000e+00 : f32
    %add3A_11 = vector.broadcast %add3A_10 : f32 to vector<400x1xf32>
    %add3A_12 = arith.addf %add3A, %add3A_11 : vector<400x1xf32>
    %rsqrt3A = math.rsqrt %add3A_12 : vector<400x1xf32>
    %get3A_13 = arith.constant 0 : index
    %get3A_14 = arith.constant 0 : index
    %get3A_15 = arith.constant 0 : index
    %get3A_16 = vector.load %arg1[%get3A_13, %get3A_14, %get3A_15] : memref<2x400x128xf32, #tpu.memory_space<vmem>>, vector<1x400x128xf32>
    %get3A_17 = vector.shape_cast %get3A_16 : vector<1x400x128xf32> to vector<400x128xf32>
    %get3A_18 = arith.constant 1 : index
    %get3A_19 = arith.constant 0 : index
    %get3A_20 = arith.constant 0 : index
    %get3A_21 = vector.load %arg1[%get3A_18, %get3A_19, %get3A_20] : memref<2x400x128xf32, #tpu.memory_space<vmem>>, vector<1x400x128xf32>
    %get3A_22 = vector.shape_cast %get3A_21 : vector<1x400x128xf32> to vector<400x128xf32>
    %add3A_23 = arith.addf %get3A_17, %get3A_22 : vector<400x128xf32>
    %get3A_24 = arith.constant 0 : index
    %get3A_25 = arith.constant 0 : index
    %get3A_26 = vector.load %arg2[%get3A_24, %get3A_25] : memref<400x128xf32, #tpu.memory_space<vmem>>, vector<400x128xf32>
    %add3A_27 = arith.addf %add3A_23, %get3A_26 : vector<400x128xf32>
    %mul3A = vector.broadcast %rsqrt3A : vector<400x1xf32> to vector<400x128xf32>
    %mul3A_28 = arith.mulf %mul3A, %add3A_27 : vector<400x128xf32>
    %get3A_29 = arith.constant 0 : index
    %get3A_30 = arith.constant 0 : index
    %get3A_31 = vector.load %arg4[%get3A_29, %get3A_30] : memref<1x128xf32, #tpu.memory_space<vmem>>, vector<1x128xf32>
    %add3A_32 = vector.broadcast %get3A_31 : vector<1x128xf32> to vector<400x128xf32>
    %add3A_33 = arith.addf %mul3A_28, %add3A_32 : vector<400x128xf32>
    %swap3A = arith.constant 0 : index
    %swap3A_34 = arith.constant 0 : index
    %swap3A_35 = vector.load %arg5[%swap3A, %swap3A_34] : memref<400x128xf32, #tpu.memory_space<vmem>>, vector<400x128xf32>
    tpu.vector_store %arg5[%swap3A, %swap3A_34], %add3A_33 {strides = array<i32>} : memref<400x128xf32, #tpu.memory_space<vmem>>, vector<400x128xf32>,
    return
  }
  func.func @transform_0(%arg0: i32) -> (i32, i32, i32) {
    %c0_i32 = arith.constant 0 : i32
    %c0_i32_0 = arith.constant 0 : i32
    %c0_i32_1 = arith.constant 0 : i32
    return %c0_i32, %arg0, %c0_i32_0 : i32, i32, i32
  }
  func.func @transform_1(%arg0: i32) -> (i32, i32) {
    %c0_i32 = arith.constant 0 : i32
    %c0_i32_0 = arith.constant 0 : i32
    return %arg0, %c0_i32 : i32, i32
  }
  func.func @transform_2(%arg0: i32) -> (i32, i32, i32) {
    %c0_i32 = arith.constant 0 : i32
    %c0_i32_0 = arith.constant 0 : i32
    %c0_i32_1 = arith.constant 0 : i32
    return %c0_i32, %arg0, %c0_i32_0 : i32, i32, i32
  }
  func.func @transform_3(%arg0: i32) -> (i32, i32) {
    %c0_i32 = arith.constant 0 : i32
    %c0_i32_0 = arith.constant 0 : i32
    %c0_i32_1 = arith.constant 0 : i32
    return %c0_i32, %c0_i32_0 : i32, i32
  }
  func.func @transform_4(%arg0: i32) -> (i32, i32) {
    %c0_i32 = arith.constant 0 : i32
    %c0_i32_0 = arith.constant 0 : i32
    return %arg0, %c0_i32 : i32, i32
  }
}

</mosaic_0001>

<sc_bundles>
// kernel: kernel.12.cloned.1.call-start
scs
__scs_entry_jumppad:
0x0: {  	(pc) =	sbr.rel $0x88, $3  }
0x1: {  	(tag) =	ssettag $0x0;
	lr =	simm.s32 $0x1  }
0x2: {  	[smem:$0x3F9B] =	sst lr;
	_ =	strace $0xD0000000  }
0x3: {  	_ = 	snop  }
0x4: {  	_ = 	snop  }
0x5: {  	_ = 	snop  }
0x6: {  	_ = 	snop  }
0x7: {  	_ = 	snop  }
__scs_overlays_trampoline_lowered:
0x8: {  	[smem:$0x3FAA] =	sst s0  }
0x9: {  	[smem:$0x3FAB] =	sst s1  }
0xa: {  	[smem:$0x3FAC] =	sst s2  }
0xb: {  	[smem:$0x3FAD] =	sst s3  }
0xc: {  	[smem:$0x3FAE] =	sst s4  }
0xd: {  	[smem:$0x3FAF] =	sst s5  }
0xe: {  	[smem:$0x3FB0] =	sst s6  }
0xf: {  	[smem:$0x3FB1] =	sst s7  }
0x10: {  	[smem:$0x3FB2] =	sst s8  }
0x11: {  	[smem:$0x3FB3] =	sst s9;
	s0 =	simm.s32 @!p0 $0x0  }
0x12: {  	s1 =	sld [smem:$0x3F99];
	s0 =	simm.s32 @p0 $0x1  }
0x13: {  	[smem:$0x3FB4] =	sst s0;
	s0 =	simm.s32 @!p1 $0x0  }
0x14: {  	s2 =	sld [smem:$0x3F98];
	s0 =	simm.s32 @p1 $0x1  }
0x15: {  	[smem:$0x3FB5] =	sst s0;
	s0 =	simm.s32 @!p2 $0x0  }
0x16: {  	s3 =	sld [smem:$0x3FDB];
	s0 =	simm.s32 @p2 $0x1  }
0x17: {  	s4 =	simm.s32 $0x1BF5;
	[smem:$0x3FB7] =	sst s0  }
0x18: {  	s0 =	sld [smem:$0x3F9A];
	_ =	swait.ge [sflag:s4], $0x0  }
0x19: {  	s7 =	sld [smem:$0x3F9B]  }
0x1a: {  	s8 =	sadd.s32 $0xFFFFE003, lr  }
0x1b: {  	s9 =	sadd.s32 $0xFFFFFEF7, lr;
	s5 =	simm.s32 $0xFFFFFFFF;
	p2 =	slt.u32 s8, $0xFFFFF086  }
0x1c: {  	p1 =	slt.u32 s9, $0xF7A;
	s5 =	simm.s32 @!p2 $0x0  }
0x1d: {  	s5 =	simm.s32 @p1 $0x1;
	p0 =	seq.s32 s7, s2  }
0x1e: {  	s7 =	smul.u32 @!p0 $0xF7A, s2;
	p2 =	seq.s32 @!p0 s5, $0x0  }
0x1f: {  	s9 =	smul.u32 $0xF7A, s1;
	s8 =	simm.s32 @!p0 $0x1BF5;
	p2 =	por !p2, p0  }
0x20: {  	[sflag:s8] =	ssyncset.s32 @!p0 $0xFFFFF086;
	s6 =	sadd.s32 @!p0 s3, s7;
	s7 =	simm.s32 @!p0 $0x108  }
0x21: {  	s3 =	sadd.s32 s3, s9;
	s6 =	sadd.s32 @!p0 $0x88, s6;
	s7 =	simm.s32 @p2 $0x1082  }
0x22: {  	[simem:s7], [sflag:s8] =	dma.local @!p0 [hbm:s6], $0xF7A  }
0x23: {  	s9 =	sor.u32 $0xD0000000, s2;
	s6 =	simm.s32 $0x108;
	_ =	swait.ge @!p0 [sflag:s8], $0x0  }
0x24: {  	s3 =	sadd.s32 $0x88, s3;
	s6 =	simm.s32 @!p1 $0x1082;
	[sflag:s4] =	ssyncset.s32 $0xFFFFF086  }
0x25: {  	[simem:s6], [sflag:s4] =	dma.local [hbm:s3], $0xF7A  }
0x26: {  	[smem:$0x3F9B] =	sst s1;
	(tag) =	ssettag s2;
	_ =	strace s9  }
0x27: {  	s1 =	sld [smem:$0x3FAB]  }
0x28: {  	s2 =	sld [smem:$0x3FAC]  }
0x29: {  	s4 =	sld [smem:$0x3FAE]  }
0x2a: {  	p0 =	seq.s32 s5, $0x0;
	s5 =	sld [smem:$0x3FAF]  }
0x2b: {  	s6 =	sld [smem:$0x3FB0]  }
0x2c: {  	s7 =	sld [smem:$0x3FB1]  }
0x2d: {  	s3 =	simm.s32 $0x108;
	s8 =	sld [smem:$0x3FB2]  }
0x2e: {  	s3 =	simm.s32 @!p0 $0x1082;
	s9 =	sld [smem:$0x3FB3]  }
0x2f: {  	lr =	sadd.s32 s0, s3;
	s0 =	sld [smem:$0x3FAA]  }
0x30: {  	s3 =	sld [smem:$0x3FAD]  }
0x31: {  	[smem:$0x3FB6] =	sst s10  }
0x32: {  	s10 =	sld [smem:$0x3FB4];
	_ =	sdelay $0x3  }
0x33: {  	p0 =	seq.s32 s10, $0x1;
	s10 =	sld [smem:$0x3FB6];
	_ =	sdelay $0x3  }
0x34: {  	[smem:$0x3FB6] =	sst s10  }
0x35: {  	s10 =	sld [smem:$0x3FB5];
	_ =	sdelay $0x3  }
0x36: {  	p1 =	seq.s32 s10, $0x1;
	s10 =	sld [smem:$0x3FB6];
	_ =	sdelay $0x3  }
0x37: {  	[smem:$0x3FB6] =	sst s10  }
0x38: {  	s10 =	sld [smem:$0x3FB7]  }
0x39: {  	_ = 	snop;
	(pc) =	sbr.ind lr, $3  }
0x3a: {  	_ = 	snop  }
0x3b: {  	_ = 	snop  }
0x3c: {  	p2 =	seq.s32 s10, $0x1;
	s10 =	sld [smem:$0x3FB6]  }
0x3d: {  	_ =	shalt  }
0x3e: {  	_ =	shalt  }
0x3f: {  	_ =	shalt  }
0x40: {  	_ =	shalt  }
0x41: {  	_ =	shalt  }
0x42: {  	_ =	shalt  }
0x43: {  	_ =	shalt  }
0x44: {  	_ =	shalt  }
0x45: {  	_ =	shalt  }
0x46: {  	_ =	shalt  }
0x47: {  	_ =	shalt  }
0x48: {  	_ =	shalt  }
0x49: {  	_ =	shalt  }
0x4a: {  	_ =	shalt  }
0x4b: {  	_ =	shalt  }
0x4c: {  	_ =	shalt  }
0x4d: {  	_ =	shalt  }
0x4e: {  	_ =	shalt  }
0x4f: {  	_ =	shalt  }
0x50: {  	_ =	shalt  }
0x51: {  	_ =	shalt  }
0x52: {  	_ =	shalt  }
0x53: {  	_ =	shalt  }
0x54: {  	_ =	shalt  }
0x55: {  	_ =	shalt  }
0x56: {  	_ =	shalt  }
0x57: {  	_ =	shalt  }
0x58: {  	_ =	shalt  }
0x59: {  	_ =	shalt  }
0x5a: {  	_ =	shalt  }
0x5b: {  	_ =	shalt  }
0x5c: {  	_ =	shalt  }
0x5d: {  	_ =	shalt  }
0x5e: {  	_ =	shalt  }
0x5f: {  	_ =	shalt  }
0x60: {  	_ =	shalt  }
0x61: {  	_ =	shalt  }
0x62: {  	_ =	shalt  }
0x63: {  	_ =	shalt  }
0x64: {  	_ =	shalt  }
0x65: {  	_ =	shalt  }
0x66: {  	_ =	shalt  }
0x67: {  	_ =	shalt  }
0x68: {  	_ =	shalt  }
0x69: {  	_ =	shalt  }
0x6a: {  	_ =	shalt  }
0x6b: {  	_ =	shalt  }
0x6c: {  	_ =	shalt  }
0x6d: {  	_ =	shalt  }
0x6e: {  	_ =	shalt  }
0x6f: {  	_ =	shalt  }
0x70: {  	_ =	shalt  }
0x71: {  	_ =	shalt  }
0x72: {  	_ =	shalt  }
0x73: {  	_ =	shalt  }
0x74: {  	_ =	shalt  }
0x75: {  	_ =	shalt  }
0x76: {  	_ =	shalt  }
0x77: {  	_ =	shalt  }
0x78: {  	_ =	shalt  }
0x79: {  	_ =	shalt  }
0x7a: {  	_ =	shalt  }
0x7b: {  	_ =	shalt  }
0x7c: {  	_ =	shalt  }
0x7d: {  	_ =	shalt  }
0x7e: {  	_ =	shalt  }
0x7f: {  	_ =	shalt  }
0x80: {  	_ =	shalt  }
0x81: {  	_ =	shalt  }
0x82: {  	_ =	shalt  }
0x83: {  	_ =	shalt  }
0x84: {  	_ =	shalt  }
0x85: {  	_ =	shalt  }
0x86: {  	_ =	shalt  }
0x87: {  	_ =	shalt  }
.Lfunc_end0:
.L_simem_size_0:
called_computation.1_lowered:
.L_overlay_start_0:
0x88: {  	s2 =	sld [smem:$0x3FD9]  }
0x89: {  	s3 =	sld [smem:$0x3FFE];
	_ =	sdelay $0x1  }
0x8a: {  	s1 =	srdreg.scid  }
0x8b: {  	s0 =	sand.u32 $0x1, s1  }
0x8c: {  	s17 =	sshll.u32 s0, $0xA;
	s2 =	sadd.s32 s3, s2  }
0x8d: {  	s2 =	sadd.s32 s2, s17  }
0x8e: {  	[smem:$0x3FC2] =	sst s2  }
0x8f: {  	_ = 	snop  }
0x90: {  	s2 =	sld [smem:$0x3FD0];
	(tm) =	ssettm $0x1  }
0x91: {  	s18 =	sld [smem:$0x3FFB];
	_ =	sdelay $0x3  }
0x92: {  	_ =	strace s18  }
0x93: {  	s3 =	sld [smem:$0x3FFC];
	_ =	sdelay $0x3  }
0x94: {  	_ =	strace s3  }
0x95: {  	s3 =	sld [smem:$0x3FFD];
	_ =	sdelay $0x3  }
0x96: {  	_ =	strace s3  }
0x97: {  	_ =	strace $0x8FFFFFFF  }
0x98: {  	s19 =	sld [smem:$0x3FDB];
	_ =	sdelay $0x1  }
0x99: {  	s4 =	simm.s32 $_scs_section_size  }
0x9a: {  	s5 =	simm.s32 $_size__tile_overlayer_lowered;
	s6 =	simm.s32 $_tile_overlayer_lowered  }
0x9b: {  	s22 =	simm.s32 $0x1BFF;
	s21 =	sshll.u32 s6, $0x1;
	s3 =	sadd.s32 s4, s19  }
0x9c: {  	s7 =	simm.s32 $0x0;
	s20 =	sshll.u32 s5, $0x1;
	s5 =	sadd.s32 s21, s3  }
0x9d: {  	[timem:s7], [sflag:s22] =	dma.local [hbm:s5], s20  }
0x9e: {  	_ =	swait.ge [sflag:s22], s20  }
0x9f: {  	s4 =	ssub.s32 $0x0, s20;
	[sflag:s22] =	ssyncset.done $0x0  }
0xa0: {  	[sflag:s22] =	ssyncadd.s32 s4;
	_ =	sdelay $0x1  }
0xa1: {  	s23 =	simm.s32 $0x1B8B  }
0xa2: {  	_ =	swait.ge [sflag:s23], $0x1  }
0xa3: {  	[sflag:s23] =	ssyncset.done $0x0  }
0xa4: {  	s25 =	simm.s32 $0x1B8E;
	s24 =	sld [smem:$0x3FFE];
	[sflag:s23] =	ssyncadd.s32 $0xFFFFFFFF  }
0xa5: {  	s26 =	simm.s32 $execute0_lowered;
	[smem:$0x3FD2] =	sst s25  }
0xa6: {  	s5 =	sshll.u32 s26, $0x1;
	_ =	strace $0x80000049;
	[dreg:$0x1] =	wrdreg $0xFFFFFFFF  }
0xa7: {  	s28 =	simm.s32 $_size_execute0_lowered;
	s3 =	sadd.s32 s3, s5;
	[dreg:$0x0] =	wrdreg $0x0  }
0xa8: {  	s5 =	sshll.u32 s28, $0x1;
	[dreg:$0x2] =	wrdreg s3  }
0xa9: {  	[dreg:$0x3] =	wrdreg s5  }
0xaa: {  	[dreg:$0x4] =	wrdreg $0xC0  }
0xab: {  	_ =	task [dreg:s7], $0x5FFFF  }
0xac: {  	[dreg:$0x1] =	wrdreg $0xFFFFFFFF  }
0xad: {  	[dreg:$0x0] =	wrdreg $0x60  }
0xae: {  	[dreg:$0x2] =	wrdreg s2  }
0xaf: {  	[dreg:$0x3] =	wrdreg s24  }
0xb0: {  	[dreg:$0x4] =	wrdreg $0x0  }
0xb1: {  	[dreg:$0x5] =	wrdreg $0x9  }
0xb2: {  	_ =	task.clear_ibuf [dreg:s7], $0x6FFFF;
	_ =	strace $0x90000049  }
0xb3: {  	s29 =	simm.s32 $0x9;
	_ =	strace $0x8000004B  }
0xb4: {  	_ =	swait.ge [sflag:s29], $0x1  }
0xb5: {  	[sflag:s29] =	ssyncadd.s32 $0xFFFFFFFF  }
0xb6: {  	_ =	strace $0x9000004B  }
0xb7: {  	_ =	sfence  }
0xb8: {  	s30 =	sld [smem:$0x0];
	_ =	sdelay $0x2  }
0xb9: {  	s31 =	sshll.u32 s1, $0xD;
	s1 =	sshrl.u32 s1, $0x2  }
0xba: {  	s3 =	sand.u32 $0x4000, s31;
	s1 =	sadd.s32 s1, s30  }
0xbb: {  	s0 =	sor.u32 s3, s0;
	s1 =	sshll.u32 s1, $0x11  }
0xbc: {  	s0 =	sor.u32 s1, s0  }
0xbd: {  	s0 =	sadd.s32 $0x8F2B, s0  }
0xbe: {  	[sflag:s0] =	ssyncadd.remote.s32 $0x1  }
0xbf: {  	_ =	sfence.sel $0xFFFF  }
0xc0: {  	[dreg:$0x0] =	wrdreg $0xFFFFFFFF;
	(pc) =	sbr.abs _section_cstart, $3  }
0xc1: {  	[dreg:$0x1] =	wrdreg $0xFFFFFFFF  }
0xc2: {  	_ =	task.clear_ibuf [dreg:s7], $0x2FFFF;
	_ =	strace $0x9FFFFFFF  }
0xc3: {  	(tm) =	ssettm $0x7FFFFFFF  }
tec
execute0_lowered:
.L_overlay_start_1:
0x0: {  	(tag) =	ssettag $0x1  }
0x1: {  	s1 =	rddreg [dreg:$0x0]  }
0x2: {  	s6 =	rddreg [dreg:$0x1]  }
0x3: {  	s2 =	rddreg [dreg:$0x2]  }
0x4: {  	s3 =	srdreg.scid;
	s0 =	rddreg [dreg:$0x3];
	s4 =	simm.s32 $0x0  }
0x5: {  	s17 =	simm.s32 $0x3;
	s18 =	simm.s32 $0x139C0;
	s19 =	simm.s32 $0x80  }
0x6: {  	s20 =	simm.s32 $0x13AC0;
	s21 =	simm.s32 $0x17AC0;
	s22 =	simm.s32 $0x1  }
0x7: {  	s23 =	simm.s32 $0x13940;
	s7 =	sand.u32 $0x1, s3;
	s3 =	stileid.u32  }
0x8: {  	s24 =	simm.s32 $0x2;
	[smem:$0x7FF] =	sst s4;
	s8 =	smul.u32 $0x4F000, s3  }
0x9: {  	s10 =	sadd.s32 $0x1E00, s6;
	s13 =	sadd.s32 $0x66800, s6;
	s12 =	smul.u32 $0x138C00, s7  }
0xa: {  	s16 =	sadd.s32 $0x128400, s2;
	s5 =	sshll.u32 s7, $0x4;
	s14 =	smul.u32 $0x13C00, s3  }
0xb: {  	_ =	strace $0x8000004A;
	s11 =	ssub.s32 $0x2, s7;
	s28 =	smul.u32 $0x500, s7  }
0xc: {  	s29 =	smul.u32 $0x50, s3;
	p0 =	seq.s32 s3, $0xF;
	s5 =	sor.u32 s3, s5  }
0xd: {  	s25 =	sshrl.u32 s11, $0x1;
	s9 =	smul.u32 $0xA00, s5;
	s5 =	sadd.s32 $0x15E00, s6  }
0xe: {  	s11 =	ssub.s32 s11, s25;
	s26 =	sshrl.u32 s8, $0x2;
	s14 =	sadd.s32 s14, s12  }
0xf: {  	s12 =	sshrl.u32 s12, $0x3;
	s25 =	simm.s32 $0x13A40;
	s15 =	sadd.s32 s26, s2  }
0x10: {  	s14 =	sshrl.u32 s14, $0x3;
	s12 =	sadd.s32 s13, s12;
	s26 =	simm.s32 $0x0  }
0x11: {  	s6 =	sadd.s32 s10, s9;
	s9 =	sadd.s32 s29, s28;
	s8 =	sadd.s32 s13, s14  }
0x12: {  	s14 =	sshll.u32 @!p0 s3, $0x6;
	s13 =	sshrl.u32 @p0 s16, $0x3;
	s15 =	sshrl.u32 @!p0 s15, $0x3  }
0x13: {  	s16 =	simm.s32 $0x138C0;
	s7 =	sadd.s32 $0x20, s6;
	s30 =	sshll.u32 s9, $0x5  }
0x14: {  	s9 =	sadd.s32 $0x25080, s12;
	s14 =	sor.u32 @!p0 $0x1C03, s14;
	s31 =	sadd.s32 s30, s10  }
0x15: {  	s10 =	smax.u32 s11, $0x1;
	s11 =	sadd.s32 $0x60, s31;
	s12 =	sadd.s32 $0x40, s31  }
.LBB2_1:
0x16: {  	s28 =	simm.s32 @p0 $0x1FC3  }
0x17: {  	[spmem:s13], [sflag:s28] =	dma.local @p0 [hbm:s5], $0x2100  }
0x18: {  	s28 =	simm.s32 @p0 $0x3  }
0x19: {  	_ =	swait.ge @p0 [sflag:s28], $0x2100  }
0x1a: {  	[sflag:s28] =	ssyncset.done @p0 $0x0  }
0x1b: {  	[sflag:s28] =	ssyncadd.s32 @p0 $0xFFFFDF00;
	s28 =	simm.s32 @!p0 $0x3  }
0x1c: {  	[spmem:s15], [sflag:s14] =	dma.local @!p0 [hbm:s5], $0x2780  }
0x1d: {  	_ =	swait.ge @!p0 [sflag:s28], $0x2780  }
0x1e: {  	[sflag:s28] =	ssyncset.done @!p0 $0x0  }
0x1f: {  	[sflag:s28] =	ssyncadd.s32 @!p0 $0xFFFFD880  }
0x20: {  	[bflag:$0x0] =	sbarrier.arrive $0xFFFF  }
0x21: {  	[tilespmem:s16], [sflag:$0x3] =	stream.linear.gather [hbm4b:s6+s4], $0x100, $0x38;
	[tilespmem:$0x1BAC0] =	vst v63  }
0x22: {  	_ =	swait.ge [sflag:s17], $0x100  }
0x23: {  	[sflag:s17] =	ssyncset.done $0x0  }
0x24: {  	[sflag:s17] =	ssyncadd.s32 $0xFFFFFF00  }
0x25: {  	[tilespmem:s18], [sflag:$0x3] =	stream.linear.gather [hbm4b:s7+s4], $0x100, $0x38;
	[tilespmem:$0x1BAC0] =	vst v63  }
0x26: {  	_ =	swait.ge [sflag:s17], $0x100  }
0x27: {  	[sflag:s17] =	ssyncset.done $0x0  }
0x28: {  	[sflag:s17] =	ssyncadd.s32 $0xFFFFFF00  }
0x29: {  	[tilespmem:s20], [sflag:$0x1] =	stream.indirect.gather [hbm4b:s1+s19], $0x80, s16, s19, $0xb8;
	[tilespmem:$0x1BAC0] =	vst v63  }
0x2a: {  	_ = 	snop  }
0x2b: {  	[tilespmem:s21], [sflag:$0x2] =	stream.indirect.gather [hbm4b:s1+s19], $0x80, s18, s19, $0xb8;
	[tilespmem:$0x1BAC0] =	vst v63  }
0x2c: {  	_ =	swait.ge [sflag:s22], $0x4000  }
0x2d: {  	[sflag:s22] =	ssyncset.done $0x0  }
0x2e: {  	[sflag:s22] =	ssyncadd.s32 $0xFFFFC000  }
0x2f: {  	[spmem:s2] =	stream.indirect.scatter.add.f32 [tilespmem:s20], [sflag:$0x3], $0x80, s23, s19, $0xb8;
	[tilespmem:$0x1BAC0] =	vst v63  }
0x30: {  	_ =	swait.ge [sflag:s17], $0x4000  }
0x31: {  	[sflag:s17] =	ssyncset.done $0x0  }
0x32: {  	s28 =	sadd.s32 $0x0, s12;
	[sflag:s17] =	ssyncadd.s32 $0xFFFFC000  }
0x33: {  	[tilespmem:s16], [sflag:$0x3] =	stream.linear.gather [hbm4b:s28+s4], $0x100, $0x38;
	[tilespmem:$0x1BAC0] =	vst v63  }
0x34: {  	_ =	swait.ge [sflag:s17], $0x100  }
0x35: {  	[sflag:s17] =	ssyncset.done $0x0  }
0x36: {  	[sflag:s17] =	ssyncadd.s32 $0xFFFFFF00  }
0x37: {  	[tilespmem:s20], [sflag:$0x1] =	stream.indirect.gather [hbm4b:s1+s19], $0x80, s16, s19, $0xb8;
	[tilespmem:$0x1BAC0] =	vst v63  }
0x38: {  	_ =	swait.ge [sflag:s24], $0x4000  }
0x39: {  	[sflag:s24] =	ssyncset.done $0x0  }
0x3a: {  	[sflag:s24] =	ssyncadd.s32 $0xFFFFC000  }
0x3b: {  	[spmem:s2] =	stream.indirect.scatter.add.f32 [tilespmem:s21], [sflag:$0x3], $0x80, s25, s19, $0xb8;
	[tilespmem:$0x1BAC0] =	vst v63  }
0x3c: {  	_ =	swait.ge [sflag:s17], $0x4000  }
0x3d: {  	[sflag:s17] =	ssyncset.done $0x0  }
0x3e: {  	s28 =	sadd.s32 $0x0, s11;
	[sflag:s17] =	ssyncadd.s32 $0xFFFFC000  }
0x3f: {  	[tilespmem:s18], [sflag:$0x3] =	stream.linear.gather [hbm4b:s28+s4], $0x100, $0x38;
	[tilespmem:$0x1BAC0] =	vst v63  }
0x40: {  	_ =	swait.ge [sflag:s17], $0x100  }
0x41: {  	[sflag:s17] =	ssyncset.done $0x0  }
0x42: {  	s28 =	simm.s32 $0x40;
	[sflag:s17] =	ssyncadd.s32 $0xFFFFFF00  }
.LBB2_2:
0x43: {  	[tilespmem:s21], [sflag:$0x2] =	stream.indirect.gather [hbm4b:s1+s19], $0x80, s18, s19, $0xb8;
	[tilespmem:$0x1BAC0] =	vst v63  }
0x44: {  	s29 =	smov.u32 s28  }
0x45: {  	p1 =	sne.s32 s28, $0x980;
	s28 =	sadd.s32 $0x40, s28;
	_ =	swait.ge [sflag:s22], $0x4000  }
0x46: {  	[sflag:s22] =	ssyncset.done $0x0  }
0x47: {  	[sflag:s22] =	ssyncadd.s32 $0xFFFFC000  }
0x48: {  	[spmem:s2] =	stream.indirect.scatter.add.f32 [tilespmem:s20], [sflag:$0x3], $0x80, s23, s19, $0xb8;
	[tilespmem:$0x1BAC0] =	vst v63  }
0x49: {  	_ =	swait.ge [sflag:s17], $0x4000  }
0x4a: {  	[sflag:s17] =	ssyncset.done $0x0  }
0x4b: {  	s30 =	sadd.s32 s29, s12;
	[sflag:s17] =	ssyncadd.s32 $0xFFFFC000  }
0x4c: {  	[tilespmem:s16], [sflag:$0x3] =	stream.linear.gather [hbm4b:s30+s4], $0x100, $0x38;
	[tilespmem:$0x1BAC0] =	vst v63  }
0x4d: {  	_ =	swait.ge [sflag:s17], $0x100  }
0x4e: {  	[sflag:s17] =	ssyncset.done $0x0  }
0x4f: {  	[sflag:s17] =	ssyncadd.s32 $0xFFFFFF00  }
0x50: {  	[tilespmem:s20], [sflag:$0x1] =	stream.indirect.gather [hbm4b:s1+s19], $0x80, s16, s19, $0xb8;
	[tilespmem:$0x1BAC0] =	vst v63  }
0x51: {  	_ =	swait.ge [sflag:s24], $0x4000  }
0x52: {  	[sflag:s24] =	ssyncset.done $0x0  }
0x53: {  	[sflag:s24] =	ssyncadd.s32 $0xFFFFC000  }
0x54: {  	[spmem:s2] =	stream.indirect.scatter.add.f32 [tilespmem:s21], [sflag:$0x3], $0x80, s25, s19, $0xb8;
	[tilespmem:$0x1BAC0] =	vst v63  }
0x55: {  	_ =	swait.ge [sflag:s17], $0x4000  }
0x56: {  	[sflag:s17] =	ssyncset.done $0x0  }
.Ltmp0:
0x57: {  	s29 =	sadd.s32 s29, s11;
	[sflag:s17] =	ssyncadd.s32 $0xFFFFC000;
	(pc) =	sbr.rel @p1 .LBB2_2-.Ltmp0, $4  }
0x58: {  	[tilespmem:s18], [sflag:$0x3] =	stream.linear.gather [hbm4b:s29+s4], $0x100, $0x38;
	[tilespmem:$0x1BAC0] =	vst v63  }
0x59: {  	_ =	swait.ge [sflag:s17], $0x100  }
0x5a: {  	[sflag:s17] =	ssyncset.done $0x0  }
0x5b: {  	[sflag:s17] =	ssyncadd.s32 $0xFFFFFF00  }
0x5c: {  	[tilespmem:s21], [sflag:$0x2] =	stream.indirect.gather [hbm4b:s1+s19], $0x80, s18, s19, $0xb8;
	[tilespmem:$0x1BAC0] =	vst v63  }
0x5d: {  	_ =	swait.ge [sflag:s22], $0x4000  }
0x5e: {  	[sflag:s22] =	ssyncset.done $0x0  }
0x5f: {  	[sflag:s22] =	ssyncadd.s32 $0xFFFFC000  }
0x60: {  	[spmem:s2] =	stream.indirect.scatter.add.f32 [tilespmem:s20], [sflag:$0x3], $0x80, s23, s19, $0xb8;
	[tilespmem:$0x1BAC0] =	vst v63  }
0x61: {  	_ =	swait.ge [sflag:s17], $0x4000  }
0x62: {  	[sflag:s17] =	ssyncset.done $0x0  }
0x63: {  	[sflag:s17] =	ssyncadd.s32 $0xFFFFC000  }
0x64: {  	_ =	swait.ge [sflag:s24], $0x4000  }
0x65: {  	[sflag:s24] =	ssyncset.done $0x0  }
0x66: {  	[sflag:s24] =	ssyncadd.s32 $0xFFFFC000  }
0x67: {  	[spmem:s2] =	stream.indirect.scatter.add.f32 [tilespmem:s21], [sflag:$0x3], $0x80, s25, s19, $0xb8;
	[tilespmem:$0x1BAC0] =	vst v63  }
0x68: {  	_ =	swait.ge [sflag:s17], $0x4000  }
0x69: {  	[sflag:s17] =	ssyncset.done $0x0  }
0x6a: {  	[sflag:s17] =	ssyncadd.s32 $0xFFFFC000  }
0x6b: {  	s28 =	simm.s32 @p0 $0x1FC3;
	[bflag:$0x0] =	sbarrier.arrive $0xFFFF  }
0x6c: {  	[hbm:s9], [sflag:s28] =	dma.local @p0 [spmem:s13], $0x2100  }
0x6d: {  	s28 =	simm.s32 @p0 $0x3  }
0x6e: {  	s26 =	sadd.s32 $0x1, s26;
	_ =	swait.ge @p0 [sflag:s28], $0x2100  }
0x6f: {  	p1 =	sne.s32 s26, s10;
	[sflag:s28] =	ssyncset.done @p0 $0x0  }
.Ltmp1:
0x70: {  	[sflag:s28] =	ssyncadd.s32 @p0 $0xFFFFDF00;
	s28 =	simm.s32 @!p0 $0x3;
	(pc) =	sbr.rel @p1 .LBB2_1-.Ltmp1, $4  }
0x71: {  	[hbm:s8], [sflag:s14] =	dma.local @!p0 [spmem:s15], $0x2780  }
0x72: {  	_ =	swait.ge @!p0 [sflag:s28], $0x2780  }
0x73: {  	[sflag:s28] =	ssyncset.done @!p0 $0x0  }
0x74: {  	[sflag:s28] =	ssyncadd.s32 @!p0 $0xFFFFD880  }
0x75: {  	_ =	sfence.sel $0x180000  }
0x76: {  	[bflag:$0x0] =	sbarrier.arrive $0xFFFF  }
0x77: {  	p0 =	sne.s32 s3, $0x0;
	_ =	strace $0x9000004A  }
0x78: {  	s0 =	sadd.s32 @!p0 $0x100000, s0;
	[bflag:$0x2] =	sbarrier.arrive $0xFFFF  }
0x79: {  	[sflag:s0] =	ssyncadd.tile.s32 @!p0 $0x1;
	_ =	shalt  }
.Lfunc_end2:
_tile_overlayer_lowered:
.L_overlay_start_2:
0x7a: {  	(tag) =	ssettag $0x2  }
0x7b: {  	s0 =	rddreg [dreg:$0x0];
	s2 =	stileid.u32  }
0x7c: {  	s1 =	rddreg [dreg:$0x1];
	p0 =	sne.s32 s2, $0x0  }
0x7d: {  	s3 =	rddreg [dreg:$0x2];
	[bflag:$0x3] =	sbarrier.arrive $0xFFFF;
	s2 =	simm.s32 @!p0 $0x1C03  }
0x7e: {  	[timem:s3], [sflag:s2] =	dma.local @!p0 [hbm:s0], s1  }
0x7f: {  	s0 =	simm.s32 @!p0 $0x3  }
0x80: {  	_ =	swait.ge @!p0 [sflag:s0], s1  }
0x81: {  	s1 =	ssub.s32 @!p0 $0x0, s1;
	[sflag:s0] =	ssyncset.done @!p0 $0x0  }
0x82: {  	[sflag:s0] =	ssyncadd.s32 @!p0 s1  }
0x83: {  	[bflag:$0x3] =	sbarrier.arrive $0xFFFF  }
0x84: {  	_ =	shalt  }

// kernel: kernel.15.cloned.1.call-start
scs
__scs_entry_jumppad:
0x0: {  	(pc) =	sbr.rel $0x88, $3  }
0x1: {  	(tag) =	ssettag $0x0;
	lr =	simm.s32 $0x1  }
0x2: {  	[smem:$0x3F9B] =	sst lr;
	_ =	strace $0xD0000000  }
0x3: {  	_ = 	snop  }
0x4: {  	_ = 	snop  }
0x5: {  	_ = 	snop  }
0x6: {  	_ = 	snop  }
0x7: {  	_ = 	snop  }
__scs_overlays_trampoline_lowered:
0x8: {  	[smem:$0x3FAA] =	sst s0  }
0x9: {  	[smem:$0x3FAB] =	sst s1  }
0xa: {  	[smem:$0x3FAC] =	sst s2  }
0xb: {  	[smem:$0x3FAD] =	sst s3  }
0xc: {  	[smem:$0x3FAE] =	sst s4  }
0xd: {  	[smem:$0x3FAF] =	sst s5  }
0xe: {  	[smem:$0x3FB0] =	sst s6  }
0xf: {  	[smem:$0x3FB1] =	sst s7  }
0x10: {  	[smem:$0x3FB2] =	sst s8  }
0x11: {  	[smem:$0x3FB3] =	sst s9;
	s0 =	simm.s32 @!p0 $0x0  }
0x12: {  	s1 =	sld [smem:$0x3F99];
	s0 =	simm.s32 @p0 $0x1  }
0x13: {  	[smem:$0x3FB4] =	sst s0;
	s0 =	simm.s32 @!p1 $0x0  }
0x14: {  	s2 =	sld [smem:$0x3F98];
	s0 =	simm.s32 @p1 $0x1  }
0x15: {  	[smem:$0x3FB5] =	sst s0;
	s0 =	simm.s32 @!p2 $0x0  }
0x16: {  	s3 =	sld [smem:$0x3FDB];
	s0 =	simm.s32 @p2 $0x1  }
0x17: {  	s4 =	simm.s32 $0x1BF5;
	[smem:$0x3FB7] =	sst s0  }
0x18: {  	s0 =	sld [smem:$0x3F9A];
	_ =	swait.ge [sflag:s4], $0x0  }
0x19: {  	s7 =	sld [smem:$0x3F9B]  }
0x1a: {  	s8 =	sadd.s32 $0xFFFFE003, lr  }
0x1b: {  	s9 =	sadd.s32 $0xFFFFFEF7, lr;
	s5 =	simm.s32 $0xFFFFFFFF;
	p2 =	slt.u32 s8, $0xFFFFF086  }
0x1c: {  	p1 =	slt.u32 s9, $0xF7A;
	s5 =	simm.s32 @!p2 $0x0  }
0x1d: {  	s5 =	simm.s32 @p1 $0x1;
	p0 =	seq.s32 s7, s2  }
0x1e: {  	s7 =	smul.u32 @!p0 $0xF7A, s2;
	p2 =	seq.s32 @!p0 s5, $0x0  }
0x1f: {  	s9 =	smul.u32 $0xF7A, s1;
	s8 =	simm.s32 @!p0 $0x1BF5;
	p2 =	por !p2, p0  }
0x20: {  	[sflag:s8] =	ssyncset.s32 @!p0 $0xFFFFF086;
	s6 =	sadd.s32 @!p0 s3, s7;
	s7 =	simm.s32 @!p0 $0x108  }
0x21: {  	s3 =	sadd.s32 s3, s9;
	s6 =	sadd.s32 @!p0 $0x88, s6;
	s7 =	simm.s32 @p2 $0x1082  }
0x22: {  	[simem:s7], [sflag:s8] =	dma.local @!p0 [hbm:s6], $0xF7A  }
0x23: {  	s9 =	sor.u32 $0xD0000000, s2;
	s6 =	simm.s32 $0x108;
	_ =	swait.ge @!p0 [sflag:s8], $0x0  }
0x24: {  	s3 =	sadd.s32 $0x88, s3;
	s6 =	simm.s32 @!p1 $0x1082;
	[sflag:s4] =	ssyncset.s32 $0xFFFFF086  }
0x25: {  	[simem:s6], [sflag:s4] =	dma.local [hbm:s3], $0xF7A  }
0x26: {  	[smem:$0x3F9B] =	sst s1;
	(tag) =	ssettag s2;
	_ =	strace s9  }
0x27: {  	s1 =	sld [smem:$0x3FAB]  }
0x28: {  	s2 =	sld [smem:$0x3FAC]  }
0x29: {  	s4 =	sld [smem:$0x3FAE]  }
0x2a: {  	p0 =	seq.s32 s5, $0x0;
	s5 =	sld [smem:$0x3FAF]  }
0x2b: {  	s6 =	sld [smem:$0x3FB0]  }
0x2c: {  	s7 =	sld [smem:$0x3FB1]  }
0x2d: {  	s3 =	simm.s32 $0x108;
	s8 =	sld [smem:$0x3FB2]  }
0x2e: {  	s3 =	simm.s32 @!p0 $0x1082;
	s9 =	sld [smem:$0x3FB3]  }
0x2f: {  	lr =	sadd.s32 s0, s3;
	s0 =	sld [smem:$0x3FAA]  }
0x30: {  	s3 =	sld [smem:$0x3FAD]  }
0x31: {  	[smem:$0x3FB6] =	sst s10  }
0x32: {  	s10 =	sld [smem:$0x3FB4];
	_ =	sdelay $0x3  }
0x33: {  	p0 =	seq.s32 s10, $0x1;
	s10 =	sld [smem:$0x3FB6];
	_ =	sdelay $0x3  }
0x34: {  	[smem:$0x3FB6] =	sst s10  }
0x35: {  	s10 =	sld [smem:$0x3FB5];
	_ =	sdelay $0x3  }
0x36: {  	p1 =	seq.s32 s10, $0x1;
	s10 =	sld [smem:$0x3FB6];
	_ =	sdelay $0x3  }
0x37: {  	[smem:$0x3FB6] =	sst s10  }
0x38: {  	s10 =	sld [smem:$0x3FB7]  }
0x39: {  	_ = 	snop;
	(pc) =	sbr.ind lr, $3  }
0x3a: {  	_ = 	snop  }
0x3b: {  	_ = 	snop  }
0x3c: {  	p2 =	seq.s32 s10, $0x1;
	s10 =	sld [smem:$0x3FB6]  }
0x3d: {  	_ =	shalt  }
0x3e: {  	_ =	shalt  }
0x3f: {  	_ =	shalt  }
0x40: {  	_ =	shalt  }
0x41: {  	_ =	shalt  }
0x42: {  	_ =	shalt  }
0x43: {  	_ =	shalt  }
0x44: {  	_ =	shalt  }
0x45: {  	_ =	shalt  }
0x46: {  	_ =	shalt  }
0x47: {  	_ =	shalt  }
0x48: {  	_ =	shalt  }
0x49: {  	_ =	shalt  }
0x4a: {  	_ =	shalt  }
0x4b: {  	_ =	shalt  }
0x4c: {  	_ =	shalt  }
0x4d: {  	_ =	shalt  }
0x4e: {  	_ =	shalt  }
0x4f: {  	_ =	shalt  }
0x50: {  	_ =	shalt  }
0x51: {  	_ =	shalt  }
0x52: {  	_ =	shalt  }
0x53: {  	_ =	shalt  }
0x54: {  	_ =	shalt  }
0x55: {  	_ =	shalt  }
0x56: {  	_ =	shalt  }
0x57: {  	_ =	shalt  }
0x58: {  	_ =	shalt  }
0x59: {  	_ =	shalt  }
0x5a: {  	_ =	shalt  }
0x5b: {  	_ =	shalt  }
0x5c: {  	_ =	shalt  }
0x5d: {  	_ =	shalt  }
0x5e: {  	_ =	shalt  }
0x5f: {  	_ =	shalt  }
0x60: {  	_ =	shalt  }
0x61: {  	_ =	shalt  }
0x62: {  	_ =	shalt  }
0x63: {  	_ =	shalt  }
0x64: {  	_ =	shalt  }
0x65: {  	_ =	shalt  }
0x66: {  	_ =	shalt  }
0x67: {  	_ =	shalt  }
0x68: {  	_ =	shalt  }
0x69: {  	_ =	shalt  }
0x6a: {  	_ =	shalt  }
0x6b: {  	_ =	shalt  }
0x6c: {  	_ =	shalt  }
0x6d: {  	_ =	shalt  }
0x6e: {  	_ =	shalt  }
0x6f: {  	_ =	shalt  }
0x70: {  	_ =	shalt  }
0x71: {  	_ =	shalt  }
0x72: {  	_ =	shalt  }
0x73: {  	_ =	shalt  }
0x74: {  	_ =	shalt  }
0x75: {  	_ =	shalt  }
0x76: {  	_ =	shalt  }
0x77: {  	_ =	shalt  }
0x78: {  	_ =	shalt  }
0x79: {  	_ =	shalt  }
0x7a: {  	_ =	shalt  }
0x7b: {  	_ =	shalt  }
0x7c: {  	_ =	shalt  }
0x7d: {  	_ =	shalt  }
0x7e: {  	_ =	shalt  }
0x7f: {  	_ =	shalt  }
0x80: {  	_ =	shalt  }
0x81: {  	_ =	shalt  }
0x82: {  	_ =	shalt  }
0x83: {  	_ =	shalt  }
0x84: {  	_ =	shalt  }
0x85: {  	_ =	shalt  }
0x86: {  	_ =	shalt  }
0x87: {  	_ =	shalt  }
.Lfunc_end0:
.L_simem_size_0:
called_computation.2_lowered:
.L_overlay_start_0:
0x88: {  	s2 =	sld [smem:$0x3FD9]  }
0x89: {  	s3 =	sld [smem:$0x3FFE];
	_ =	sdelay $0x1  }
0x8a: {  	s1 =	srdreg.scid  }
0x8b: {  	s0 =	sand.u32 $0x1, s1  }
0x8c: {  	s17 =	sshll.u32 s0, $0xA;
	s2 =	sadd.s32 s3, s2  }
0x8d: {  	s2 =	sadd.s32 s2, s17  }
0x8e: {  	[smem:$0x3FC2] =	sst s2  }
0x8f: {  	_ = 	snop  }
0x90: {  	s2 =	sld [smem:$0x3FD0];
	(tm) =	ssettm $0x1  }
0x91: {  	s18 =	sld [smem:$0x3FFB];
	_ =	sdelay $0x3  }
0x92: {  	_ =	strace s18  }
0x93: {  	s3 =	sld [smem:$0x3FFC];
	_ =	sdelay $0x3  }
0x94: {  	_ =	strace s3  }
0x95: {  	s3 =	sld [smem:$0x3FFD];
	_ =	sdelay $0x3  }
0x96: {  	_ =	strace s3  }
0x97: {  	_ =	strace $0x8FFFFFFF  }
0x98: {  	s19 =	sld [smem:$0x3FDB];
	_ =	sdelay $0x1  }
0x99: {  	s4 =	simm.s32 $_scs_section_size  }
0x9a: {  	s5 =	simm.s32 $_size__tile_overlayer_lowered;
	s6 =	simm.s32 $_tile_overlayer_lowered  }
0x9b: {  	s22 =	simm.s32 $0x1BFF;
	s21 =	sshll.u32 s6, $0x1;
	s3 =	sadd.s32 s4, s19  }
0x9c: {  	s7 =	simm.s32 $0x0;
	s20 =	sshll.u32 s5, $0x1;
	s5 =	sadd.s32 s21, s3  }
0x9d: {  	[timem:s7], [sflag:s22] =	dma.local [hbm:s5], s20  }
0x9e: {  	_ =	swait.ge [sflag:s22], s20  }
0x9f: {  	s4 =	ssub.s32 $0x0, s20;
	[sflag:s22] =	ssyncset.done $0x0  }
0xa0: {  	[sflag:s22] =	ssyncadd.s32 s4;
	_ =	sdelay $0x1  }
0xa1: {  	s23 =	simm.s32 $0x1B8B  }
0xa2: {  	_ =	swait.ge [sflag:s23], $0x1  }
0xa3: {  	[sflag:s23] =	ssyncset.done $0x0  }
0xa4: {  	s25 =	simm.s32 $0x1B8E;
	s24 =	sld [smem:$0x3FFE];
	[sflag:s23] =	ssyncadd.s32 $0xFFFFFFFF  }
0xa5: {  	s26 =	simm.s32 $execute0_lowered;
	[smem:$0x3FD2] =	sst s25  }
0xa6: {  	s5 =	sshll.u32 s26, $0x1;
	_ =	strace $0x8000004C;
	[dreg:$0x1] =	wrdreg $0xFFFFFFFF  }
0xa7: {  	s28 =	simm.s32 $_size_execute0_lowered;
	s3 =	sadd.s32 s3, s5;
	[dreg:$0x0] =	wrdreg $0x0  }
0xa8: {  	s5 =	sshll.u32 s28, $0x1;
	[dreg:$0x2] =	wrdreg s3  }
0xa9: {  	[dreg:$0x3] =	wrdreg s5  }
0xaa: {  	[dreg:$0x4] =	wrdreg $0xC0  }
0xab: {  	_ =	task [dreg:s7], $0x5FFFF  }
0xac: {  	[dreg:$0x1] =	wrdreg $0xFFFFFFFF  }
0xad: {  	[dreg:$0x0] =	wrdreg $0x60  }
0xae: {  	[dreg:$0x2] =	wrdreg s2  }
0xaf: {  	[dreg:$0x3] =	wrdreg s24  }
0xb0: {  	[dreg:$0x4] =	wrdreg $0x0  }
0xb1: {  	[dreg:$0x5] =	wrdreg $0x9  }
0xb2: {  	_ =	task.clear_ibuf [dreg:s7], $0x6FFFF;
	_ =	strace $0x9000004C  }
0xb3: {  	s29 =	simm.s32 $0x9;
	_ =	strace $0x8000004E  }
0xb4: {  	_ =	swait.ge [sflag:s29], $0x1  }
0xb5: {  	[sflag:s29] =	ssyncadd.s32 $0xFFFFFFFF  }
0xb6: {  	_ =	strace $0x9000004E  }
0xb7: {  	_ =	sfence  }
0xb8: {  	s30 =	sld [smem:$0x0];
	_ =	sdelay $0x2  }
0xb9: {  	s31 =	sshll.u32 s1, $0xD;
	s1 =	sshrl.u32 s1, $0x2  }
0xba: {  	s3 =	sand.u32 $0x4000, s31;
	s1 =	sadd.s32 s1, s30  }
0xbb: {  	s0 =	sor.u32 s3, s0;
	s1 =	sshll.u32 s1, $0x11  }
0xbc: {  	s0 =	sor.u32 s1, s0  }
0xbd: {  	s0 =	sadd.s32 $0x8F2B, s0  }
0xbe: {  	[sflag:s0] =	ssyncadd.remote.s32 $0x1  }
0xbf: {  	_ =	sfence.sel $0xFFFF  }
0xc0: {  	[dreg:$0x0] =	wrdreg $0xFFFFFFFF;
	(pc) =	sbr.abs _section_cstart, $3  }
0xc1: {  	[dreg:$0x1] =	wrdreg $0xFFFFFFFF  }
0xc2: {  	_ =	task.clear_ibuf [dreg:s7], $0x2FFFF;
	_ =	strace $0x9FFFFFFF  }
0xc3: {  	(tm) =	ssettm $0x7FFFFFFF  }
tec
execute0_lowered:
.L_overlay_start_1:
0x0: {  	(tag) =	ssettag $0x1  }
0x1: {  	s1 =	rddreg [dreg:$0x0]  }
0x2: {  	s6 =	rddreg [dreg:$0x1]  }
0x3: {  	s2 =	rddreg [dreg:$0x2]  }
0x4: {  	s3 =	srdreg.scid;
	s0 =	rddreg [dreg:$0x3];
	s4 =	simm.s32 $0x0  }
0x5: {  	s17 =	simm.s32 $0x3;
	s18 =	simm.s32 $0x139C0;
	s19 =	simm.s32 $0x80  }
0x6: {  	s20 =	simm.s32 $0x13AC0;
	s21 =	simm.s32 $0x17AC0;
	s22 =	simm.s32 $0x1  }
0x7: {  	s23 =	simm.s32 $0x13940;
	s7 =	sand.u32 $0x1, s3;
	s3 =	stileid.u32  }
0x8: {  	s24 =	simm.s32 $0x2;
	[smem:$0x7FF] =	sst s4;
	s8 =	smul.u32 $0x4F000, s3  }
0x9: {  	s10 =	sadd.s32 $0x1E00, s6;
	s13 =	sadd.s32 $0x66800, s6;
	s12 =	smul.u32 $0x138C00, s7  }
0xa: {  	s16 =	sadd.s32 $0x128400, s2;
	s5 =	sshll.u32 s7, $0x4;
	s14 =	smul.u32 $0x13C00, s3  }
0xb: {  	_ =	strace $0x8000004D;
	s11 =	ssub.s32 $0x2, s7;
	s28 =	smul.u32 $0x500, s7  }
0xc: {  	s29 =	smul.u32 $0x50, s3;
	p0 =	seq.s32 s3, $0xF;
	s5 =	sor.u32 s3, s5  }
0xd: {  	s25 =	sshrl.u32 s11, $0x1;
	s9 =	smul.u32 $0xA00, s5;
	s5 =	sadd.s32 $0x15E00, s6  }
0xe: {  	s11 =	ssub.s32 s11, s25;
	s26 =	sshrl.u32 s8, $0x2;
	s14 =	sadd.s32 s14, s12  }
0xf: {  	s12 =	sshrl.u32 s12, $0x3;
	s25 =	simm.s32 $0x13A40;
	s15 =	sadd.s32 s26, s2  }
0x10: {  	s14 =	sshrl.u32 s14, $0x3;
	s12 =	sadd.s32 s13, s12;
	s26 =	simm.s32 $0x0  }
0x11: {  	s6 =	sadd.s32 s10, s9;
	s9 =	sadd.s32 s29, s28;
	s8 =	sadd.s32 s13, s14  }
0x12: {  	s14 =	sshll.u32 @!p0 s3, $0x6;
	s13 =	sshrl.u32 @p0 s16, $0x3;
	s15 =	sshrl.u32 @!p0 s15, $0x3  }
0x13: {  	s16 =	simm.s32 $0x138C0;
	s7 =	sadd.s32 $0x20, s6;
	s30 =	sshll.u32 s9, $0x5  }
0x14: {  	s9 =	sadd.s32 $0x25080, s12;
	s14 =	sor.u32 @!p0 $0x1C03, s14;
	s31 =	sadd.s32 s30, s10  }
0x15: {  	s10 =	smax.u32 s11, $0x1;
	s11 =	sadd.s32 $0x60, s31;
	s12 =	sadd.s32 $0x40, s31  }
.LBB2_1:
0x16: {  	s28 =	simm.s32 @p0 $0x1FC3  }
0x17: {  	[spmem:s13], [sflag:s28] =	dma.local @p0 [hbm:s5], $0x2100  }
0x18: {  	s28 =	simm.s32 @p0 $0x3  }
0x19: {  	_ =	swait.ge @p0 [sflag:s28], $0x2100  }
0x1a: {  	[sflag:s28] =	ssyncset.done @p0 $0x0  }
0x1b: {  	[sflag:s28] =	ssyncadd.s32 @p0 $0xFFFFDF00;
	s28 =	simm.s32 @!p0 $0x3  }
0x1c: {  	[spmem:s15], [sflag:s14] =	dma.local @!p0 [hbm:s5], $0x2780  }
0x1d: {  	_ =	swait.ge @!p0 [sflag:s28], $0x2780  }
0x1e: {  	[sflag:s28] =	ssyncset.done @!p0 $0x0  }
0x1f: {  	[sflag:s28] =	ssyncadd.s32 @!p0 $0xFFFFD880  }
0x20: {  	[bflag:$0x0] =	sbarrier.arrive $0xFFFF  }
0x21: {  	[tilespmem:s16], [sflag:$0x3] =	stream.linear.gather [hbm4b:s6+s4], $0x100, $0x38;
	[tilespmem:$0x1BAC0] =	vst v63  }
0x22: {  	_ =	swait.ge [sflag:s17], $0x100  }
0x23: {  	[sflag:s17] =	ssyncset.done $0x0  }
0x24: {  	[sflag:s17] =	ssyncadd.s32 $0xFFFFFF00  }
0x25: {  	[tilespmem:s18], [sflag:$0x3] =	stream.linear.gather [hbm4b:s7+s4], $0x100, $0x38;
	[tilespmem:$0x1BAC0] =	vst v63  }
0x26: {  	_ =	swait.ge [sflag:s17], $0x100  }
0x27: {  	[sflag:s17] =	ssyncset.done $0x0  }
0x28: {  	[sflag:s17] =	ssyncadd.s32 $0xFFFFFF00  }
0x29: {  	[tilespmem:s20], [sflag:$0x1] =	stream.indirect.gather [hbm4b:s1+s19], $0x80, s16, s19, $0xb8;
	[tilespmem:$0x1BAC0] =	vst v63  }
0x2a: {  	_ = 	snop  }
0x2b: {  	[tilespmem:s21], [sflag:$0x2] =	stream.indirect.gather [hbm4b:s1+s19], $0x80, s18, s19, $0xb8;
	[tilespmem:$0x1BAC0] =	vst v63  }
0x2c: {  	_ =	swait.ge [sflag:s22], $0x4000  }
0x2d: {  	[sflag:s22] =	ssyncset.done $0x0  }
0x2e: {  	[sflag:s22] =	ssyncadd.s32 $0xFFFFC000  }
0x2f: {  	[spmem:s2] =	stream.indirect.scatter.add.f32 [tilespmem:s20], [sflag:$0x3], $0x80, s23, s19, $0xb8;
	[tilespmem:$0x1BAC0] =	vst v63  }
0x30: {  	_ =	swait.ge [sflag:s17], $0x4000  }
0x31: {  	[sflag:s17] =	ssyncset.done $0x0  }
0x32: {  	s28 =	sadd.s32 $0x0, s12;
	[sflag:s17] =	ssyncadd.s32 $0xFFFFC000  }
0x33: {  	[tilespmem:s16], [sflag:$0x3] =	stream.linear.gather [hbm4b:s28+s4], $0x100, $0x38;
	[tilespmem:$0x1BAC0] =	vst v63  }
0x34: {  	_ =	swait.ge [sflag:s17], $0x100  }
0x35: {  	[sflag:s17] =	ssyncset.done $0x0  }
0x36: {  	[sflag:s17] =	ssyncadd.s32 $0xFFFFFF00  }
0x37: {  	[tilespmem:s20], [sflag:$0x1] =	stream.indirect.gather [hbm4b:s1+s19], $0x80, s16, s19, $0xb8;
	[tilespmem:$0x1BAC0] =	vst v63  }
0x38: {  	_ =	swait.ge [sflag:s24], $0x4000  }
0x39: {  	[sflag:s24] =	ssyncset.done $0x0  }
0x3a: {  	[sflag:s24] =	ssyncadd.s32 $0xFFFFC000  }
0x3b: {  	[spmem:s2] =	stream.indirect.scatter.add.f32 [tilespmem:s21], [sflag:$0x3], $0x80, s25, s19, $0xb8;
	[tilespmem:$0x1BAC0] =	vst v63  }
0x3c: {  	_ =	swait.ge [sflag:s17], $0x4000  }
0x3d: {  	[sflag:s17] =	ssyncset.done $0x0  }
0x3e: {  	s28 =	sadd.s32 $0x0, s11;
	[sflag:s17] =	ssyncadd.s32 $0xFFFFC000  }
0x3f: {  	[tilespmem:s18], [sflag:$0x3] =	stream.linear.gather [hbm4b:s28+s4], $0x100, $0x38;
	[tilespmem:$0x1BAC0] =	vst v63  }
0x40: {  	_ =	swait.ge [sflag:s17], $0x100  }
0x41: {  	[sflag:s17] =	ssyncset.done $0x0  }
0x42: {  	s28 =	simm.s32 $0x40;
	[sflag:s17] =	ssyncadd.s32 $0xFFFFFF00  }
.LBB2_2:
0x43: {  	[tilespmem:s21], [sflag:$0x2] =	stream.indirect.gather [hbm4b:s1+s19], $0x80, s18, s19, $0xb8;
	[tilespmem:$0x1BAC0] =	vst v63  }
0x44: {  	s29 =	smov.u32 s28  }
0x45: {  	p1 =	sne.s32 s28, $0x980;
	s28 =	sadd.s32 $0x40, s28;
	_ =	swait.ge [sflag:s22], $0x4000  }
0x46: {  	[sflag:s22] =	ssyncset.done $0x0  }
0x47: {  	[sflag:s22] =	ssyncadd.s32 $0xFFFFC000  }
0x48: {  	[spmem:s2] =	stream.indirect.scatter.add.f32 [tilespmem:s20], [sflag:$0x3], $0x80, s23, s19, $0xb8;
	[tilespmem:$0x1BAC0] =	vst v63  }
0x49: {  	_ =	swait.ge [sflag:s17], $0x4000  }
0x4a: {  	[sflag:s17] =	ssyncset.done $0x0  }
0x4b: {  	s30 =	sadd.s32 s29, s12;
	[sflag:s17] =	ssyncadd.s32 $0xFFFFC000  }
0x4c: {  	[tilespmem:s16], [sflag:$0x3] =	stream.linear.gather [hbm4b:s30+s4], $0x100, $0x38;
	[tilespmem:$0x1BAC0] =	vst v63  }
0x4d: {  	_ =	swait.ge [sflag:s17], $0x100  }
0x4e: {  	[sflag:s17] =	ssyncset.done $0x0  }
0x4f: {  	[sflag:s17] =	ssyncadd.s32 $0xFFFFFF00  }
0x50: {  	[tilespmem:s20], [sflag:$0x1] =	stream.indirect.gather [hbm4b:s1+s19], $0x80, s16, s19, $0xb8;
	[tilespmem:$0x1BAC0] =	vst v63  }
0x51: {  	_ =	swait.ge [sflag:s24], $0x4000  }
0x52: {  	[sflag:s24] =	ssyncset.done $0x0  }
0x53: {  	[sflag:s24] =	ssyncadd.s32 $0xFFFFC000  }
0x54: {  	[spmem:s2] =	stream.indirect.scatter.add.f32 [tilespmem:s21], [sflag:$0x3], $0x80, s25, s19, $0xb8;
	[tilespmem:$0x1BAC0] =	vst v63  }
0x55: {  	_ =	swait.ge [sflag:s17], $0x4000  }
0x56: {  	[sflag:s17] =	ssyncset.done $0x0  }
.Ltmp0:
0x57: {  	s29 =	sadd.s32 s29, s11;
	[sflag:s17] =	ssyncadd.s32 $0xFFFFC000;
	(pc) =	sbr.rel @p1 .LBB2_2-.Ltmp0, $4  }
0x58: {  	[tilespmem:s18], [sflag:$0x3] =	stream.linear.gather [hbm4b:s29+s4], $0x100, $0x38;
	[tilespmem:$0x1BAC0] =	vst v63  }
0x59: {  	_ =	swait.ge [sflag:s17], $0x100  }
0x5a: {  	[sflag:s17] =	ssyncset.done $0x0  }
0x5b: {  	[sflag:s17] =	ssyncadd.s32 $0xFFFFFF00  }
0x5c: {  	[tilespmem:s21], [sflag:$0x2] =	stream.indirect.gather [hbm4b:s1+s19], $0x80, s18, s19, $0xb8;
	[tilespmem:$0x1BAC0] =	vst v63  }
0x5d: {  	_ =	swait.ge [sflag:s22], $0x4000  }
0x5e: {  	[sflag:s22] =	ssyncset.done $0x0  }
0x5f: {  	[sflag:s22] =	ssyncadd.s32 $0xFFFFC000  }
0x60: {  	[spmem:s2] =	stream.indirect.scatter.add.f32 [tilespmem:s20], [sflag:$0x3], $0x80, s23, s19, $0xb8;
	[tilespmem:$0x1BAC0] =	vst v63  }
0x61: {  	_ =	swait.ge [sflag:s17], $0x4000  }
0x62: {  	[sflag:s17] =	ssyncset.done $0x0  }
0x63: {  	[sflag:s17] =	ssyncadd.s32 $0xFFFFC000  }
0x64: {  	_ =	swait.ge [sflag:s24], $0x4000  }
0x65: {  	[sflag:s24] =	ssyncset.done $0x0  }
0x66: {  	[sflag:s24] =	ssyncadd.s32 $0xFFFFC000  }
0x67: {  	[spmem:s2] =	stream.indirect.scatter.add.f32 [tilespmem:s21], [sflag:$0x3], $0x80, s25, s19, $0xb8;
	[tilespmem:$0x1BAC0] =	vst v63  }
0x68: {  	_ =	swait.ge [sflag:s17], $0x4000  }
0x69: {  	[sflag:s17] =	ssyncset.done $0x0  }
0x6a: {  	[sflag:s17] =	ssyncadd.s32 $0xFFFFC000  }
0x6b: {  	s28 =	simm.s32 @p0 $0x1FC3;
	[bflag:$0x0] =	sbarrier.arrive $0xFFFF  }
0x6c: {  	[hbm:s9], [sflag:s28] =	dma.local @p0 [spmem:s13], $0x2100  }
0x6d: {  	s28 =	simm.s32 @p0 $0x3  }
0x6e: {  	s26 =	sadd.s32 $0x1, s26;
	_ =	swait.ge @p0 [sflag:s28], $0x2100  }
0x6f: {  	p1 =	sne.s32 s26, s10;
	[sflag:s28] =	ssyncset.done @p0 $0x0  }
.Ltmp1:
0x70: {  	[sflag:s28] =	ssyncadd.s32 @p0 $0xFFFFDF00;
	s28 =	simm.s32 @!p0 $0x3;
	(pc) =	sbr.rel @p1 .LBB2_1-.Ltmp1, $4  }
0x71: {  	[hbm:s8], [sflag:s14] =	dma.local @!p0 [spmem:s15], $0x2780  }
0x72: {  	_ =	swait.ge @!p0 [sflag:s28], $0x2780  }
0x73: {  	[sflag:s28] =	ssyncset.done @!p0 $0x0  }
0x74: {  	[sflag:s28] =	ssyncadd.s32 @!p0 $0xFFFFD880  }
0x75: {  	_ =	sfence.sel $0x180000  }
0x76: {  	[bflag:$0x0] =	sbarrier.arrive $0xFFFF  }
0x77: {  	p0 =	sne.s32 s3, $0x0;
	_ =	strace $0x9000004D  }
0x78: {  	s0 =	sadd.s32 @!p0 $0x100000, s0;
	[bflag:$0x2] =	sbarrier.arrive $0xFFFF  }
0x79: {  	[sflag:s0] =	ssyncadd.tile.s32 @!p0 $0x1;
	_ =	shalt  }
.Lfunc_end2:
_tile_overlayer_lowered:
.L_overlay_start_2:
0x7a: {  	(tag) =	ssettag $0x2  }
0x7b: {  	s0 =	rddreg [dreg:$0x0];
	s2 =	stileid.u32  }
0x7c: {  	s1 =	rddreg [dreg:$0x1];
	p0 =	sne.s32 s2, $0x0  }
0x7d: {  	s3 =	rddreg [dreg:$0x2];
	[bflag:$0x3] =	sbarrier.arrive $0xFFFF;
	s2 =	simm.s32 @!p0 $0x1C03  }
0x7e: {  	[timem:s3], [sflag:s2] =	dma.local @!p0 [hbm:s0], s1  }
0x7f: {  	s0 =	simm.s32 @!p0 $0x3  }
0x80: {  	_ =	swait.ge @!p0 [sflag:s0], s1  }
0x81: {  	s1 =	ssub.s32 @!p0 $0x0, s1;
	[sflag:s0] =	ssyncset.done @!p0 $0x0  }
0x82: {  	[sflag:s0] =	ssyncadd.s32 @!p0 s1  }
0x83: {  	[bflag:$0x3] =	sbarrier.arrive $0xFFFF  }
0x84: {  	_ =	shalt  }

// kernel: kernel.9.cloned.1.call-start
scs
__scs_entry_jumppad:
0x0: {  	(pc) =	sbr.rel $0x88, $3  }
0x1: {  	(tag) =	ssettag $0x0;
	lr =	simm.s32 $0x1  }
0x2: {  	[smem:$0x3F9B] =	sst lr;
	_ =	strace $0xD0000000  }
0x3: {  	_ = 	snop  }
0x4: {  	_ = 	snop  }
0x5: {  	_ = 	snop  }
0x6: {  	_ = 	snop  }
0x7: {  	_ = 	snop  }
__scs_overlays_trampoline_lowered:
0x8: {  	[smem:$0x3FAA] =	sst s0  }
0x9: {  	[smem:$0x3FAB] =	sst s1  }
0xa: {  	[smem:$0x3FAC] =	sst s2  }
0xb: {  	[smem:$0x3FAD] =	sst s3  }
0xc: {  	[smem:$0x3FAE] =	sst s4  }
0xd: {  	[smem:$0x3FAF] =	sst s5  }
0xe: {  	[smem:$0x3FB0] =	sst s6  }
0xf: {  	[smem:$0x3FB1] =	sst s7  }
0x10: {  	[smem:$0x3FB2] =	sst s8  }
0x11: {  	[smem:$0x3FB3] =	sst s9;
	s0 =	simm.s32 @!p0 $0x0  }
0x12: {  	s1 =	sld [smem:$0x3F99];
	s0 =	simm.s32 @p0 $0x1  }
0x13: {  	[smem:$0x3FB4] =	sst s0;
	s0 =	simm.s32 @!p1 $0x0  }
0x14: {  	s2 =	sld [smem:$0x3F98];
	s0 =	simm.s32 @p1 $0x1  }
0x15: {  	[smem:$0x3FB5] =	sst s0;
	s0 =	simm.s32 @!p2 $0x0  }
0x16: {  	s3 =	sld [smem:$0x3FDB];
	s0 =	simm.s32 @p2 $0x1  }
0x17: {  	s4 =	simm.s32 $0x1BF5;
	[smem:$0x3FB7] =	sst s0  }
0x18: {  	s0 =	sld [smem:$0x3F9A];
	_ =	swait.ge [sflag:s4], $0x0  }
0x19: {  	s7 =	sld [smem:$0x3F9B]  }
0x1a: {  	s8 =	sadd.s32 $0xFFFFE003, lr  }
0x1b: {  	s9 =	sadd.s32 $0xFFFFFEF7, lr;
	s5 =	simm.s32 $0xFFFFFFFF;
	p2 =	slt.u32 s8, $0xFFFFF086  }
0x1c: {  	p1 =	slt.u32 s9, $0xF7A;
	s5 =	simm.s32 @!p2 $0x0  }
0x1d: {  	s5 =	simm.s32 @p1 $0x1;
	p0 =	seq.s32 s7, s2  }
0x1e: {  	s7 =	smul.u32 @!p0 $0xF7A, s2;
	p2 =	seq.s32 @!p0 s5, $0x0  }
0x1f: {  	s9 =	smul.u32 $0xF7A, s1;
	s8 =	simm.s32 @!p0 $0x1BF5;
	p2 =	por !p2, p0  }
0x20: {  	[sflag:s8] =	ssyncset.s32 @!p0 $0xFFFFF086;
	s6 =	sadd.s32 @!p0 s3, s7;
	s7 =	simm.s32 @!p0 $0x108  }
0x21: {  	s3 =	sadd.s32 s3, s9;
	s6 =	sadd.s32 @!p0 $0x88, s6;
	s7 =	simm.s32 @p2 $0x1082  }
0x22: {  	[simem:s7], [sflag:s8] =	dma.local @!p0 [hbm:s6], $0xF7A  }
0x23: {  	s9 =	sor.u32 $0xD0000000, s2;
	s6 =	simm.s32 $0x108;
	_ =	swait.ge @!p0 [sflag:s8], $0x0  }
0x24: {  	s3 =	sadd.s32 $0x88, s3;
	s6 =	simm.s32 @!p1 $0x1082;
	[sflag:s4] =	ssyncset.s32 $0xFFFFF086  }
0x25: {  	[simem:s6], [sflag:s4] =	dma.local [hbm:s3], $0xF7A  }
0x26: {  	[smem:$0x3F9B] =	sst s1;
	(tag) =	ssettag s2;
	_ =	strace s9  }
0x27: {  	s1 =	sld [smem:$0x3FAB]  }
0x28: {  	s2 =	sld [smem:$0x3FAC]  }
0x29: {  	s4 =	sld [smem:$0x3FAE]  }
0x2a: {  	p0 =	seq.s32 s5, $0x0;
	s5 =	sld [smem:$0x3FAF]  }
0x2b: {  	s6 =	sld [smem:$0x3FB0]  }
0x2c: {  	s7 =	sld [smem:$0x3FB1]  }
0x2d: {  	s3 =	simm.s32 $0x108;
	s8 =	sld [smem:$0x3FB2]  }
0x2e: {  	s3 =	simm.s32 @!p0 $0x1082;
	s9 =	sld [smem:$0x3FB3]  }
0x2f: {  	lr =	sadd.s32 s0, s3;
	s0 =	sld [smem:$0x3FAA]  }
0x30: {  	s3 =	sld [smem:$0x3FAD]  }
0x31: {  	[smem:$0x3FB6] =	sst s10  }
0x32: {  	s10 =	sld [smem:$0x3FB4];
	_ =	sdelay $0x3  }
0x33: {  	p0 =	seq.s32 s10, $0x1;
	s10 =	sld [smem:$0x3FB6];
	_ =	sdelay $0x3  }
0x34: {  	[smem:$0x3FB6] =	sst s10  }
0x35: {  	s10 =	sld [smem:$0x3FB5];
	_ =	sdelay $0x3  }
0x36: {  	p1 =	seq.s32 s10, $0x1;
	s10 =	sld [smem:$0x3FB6];
	_ =	sdelay $0x3  }
0x37: {  	[smem:$0x3FB6] =	sst s10  }
0x38: {  	s10 =	sld [smem:$0x3FB7]  }
0x39: {  	_ = 	snop;
	(pc) =	sbr.ind lr, $3  }
0x3a: {  	_ = 	snop  }
0x3b: {  	_ = 	snop  }
0x3c: {  	p2 =	seq.s32 s10, $0x1;
	s10 =	sld [smem:$0x3FB6]  }
0x3d: {  	_ =	shalt  }
0x3e: {  	_ =	shalt  }
0x3f: {  	_ =	shalt  }
0x40: {  	_ =	shalt  }
0x41: {  	_ =	shalt  }
0x42: {  	_ =	shalt  }
0x43: {  	_ =	shalt  }
0x44: {  	_ =	shalt  }
0x45: {  	_ =	shalt  }
0x46: {  	_ =	shalt  }
0x47: {  	_ =	shalt  }
0x48: {  	_ =	shalt  }
0x49: {  	_ =	shalt  }
0x4a: {  	_ =	shalt  }
0x4b: {  	_ =	shalt  }
0x4c: {  	_ =	shalt  }
0x4d: {  	_ =	shalt  }
0x4e: {  	_ =	shalt  }
0x4f: {  	_ =	shalt  }
0x50: {  	_ =	shalt  }
0x51: {  	_ =	shalt  }
0x52: {  	_ =	shalt  }
0x53: {  	_ =	shalt  }
0x54: {  	_ =	shalt  }
0x55: {  	_ =	shalt  }
0x56: {  	_ =	shalt  }
0x57: {  	_ =	shalt  }
0x58: {  	_ =	shalt  }
0x59: {  	_ =	shalt  }
0x5a: {  	_ =	shalt  }
0x5b: {  	_ =	shalt  }
0x5c: {  	_ =	shalt  }
0x5d: {  	_ =	shalt  }
0x5e: {  	_ =	shalt  }
0x5f: {  	_ =	shalt  }
0x60: {  	_ =	shalt  }
0x61: {  	_ =	shalt  }
0x62: {  	_ =	shalt  }
0x63: {  	_ =	shalt  }
0x64: {  	_ =	shalt  }
0x65: {  	_ =	shalt  }
0x66: {  	_ =	shalt  }
0x67: {  	_ =	shalt  }
0x68: {  	_ =	shalt  }
0x69: {  	_ =	shalt  }
0x6a: {  	_ =	shalt  }
0x6b: {  	_ =	shalt  }
0x6c: {  	_ =	shalt  }
0x6d: {  	_ =	shalt  }
0x6e: {  	_ =	shalt  }
0x6f: {  	_ =	shalt  }
0x70: {  	_ =	shalt  }
0x71: {  	_ =	shalt  }
0x72: {  	_ =	shalt  }
0x73: {  	_ =	shalt  }
0x74: {  	_ =	shalt  }
0x75: {  	_ =	shalt  }
0x76: {  	_ =	shalt  }
0x77: {  	_ =	shalt  }
0x78: {  	_ =	shalt  }
0x79: {  	_ =	shalt  }
0x7a: {  	_ =	shalt  }
0x7b: {  	_ =	shalt  }
0x7c: {  	_ =	shalt  }
0x7d: {  	_ =	shalt  }
0x7e: {  	_ =	shalt  }
0x7f: {  	_ =	shalt  }
0x80: {  	_ =	shalt  }
0x81: {  	_ =	shalt  }
0x82: {  	_ =	shalt  }
0x83: {  	_ =	shalt  }
0x84: {  	_ =	shalt  }
0x85: {  	_ =	shalt  }
0x86: {  	_ =	shalt  }
0x87: {  	_ =	shalt  }
.Lfunc_end0:
.L_simem_size_0:
called_computation_lowered:
.L_overlay_start_0:
0x88: {  	s2 =	sld [smem:$0x3FD9]  }
0x89: {  	s3 =	sld [smem:$0x3FFE];
	_ =	sdelay $0x1  }
0x8a: {  	s1 =	srdreg.scid  }
0x8b: {  	s0 =	sand.u32 $0x1, s1  }
0x8c: {  	s17 =	sshll.u32 s0, $0xA;
	s2 =	sadd.s32 s3, s2  }
0x8d: {  	s2 =	sadd.s32 s2, s17  }
0x8e: {  	[smem:$0x3FC2] =	sst s2  }
0x8f: {  	_ = 	snop  }
0x90: {  	s2 =	sld [smem:$0x3FD0];
	(tm) =	ssettm $0x1  }
0x91: {  	s18 =	sld [smem:$0x3FFB];
	_ =	sdelay $0x3  }
0x92: {  	_ =	strace s18  }
0x93: {  	s3 =	sld [smem:$0x3FFC];
	_ =	sdelay $0x3  }
0x94: {  	_ =	strace s3  }
0x95: {  	s3 =	sld [smem:$0x3FFD];
	_ =	sdelay $0x3  }
0x96: {  	_ =	strace s3  }
0x97: {  	_ =	strace $0x8FFFFFFF  }
0x98: {  	s19 =	sld [smem:$0x3FDB];
	_ =	sdelay $0x1  }
0x99: {  	s4 =	simm.s32 $_scs_section_size  }
0x9a: {  	s5 =	simm.s32 $_size__tile_overlayer_lowered;
	s6 =	simm.s32 $_tile_overlayer_lowered  }
0x9b: {  	s22 =	simm.s32 $0x1BFF;
	s21 =	sshll.u32 s6, $0x1;
	s3 =	sadd.s32 s4, s19  }
0x9c: {  	s7 =	simm.s32 $0x0;
	s20 =	sshll.u32 s5, $0x1;
	s5 =	sadd.s32 s21, s3  }
0x9d: {  	[timem:s7], [sflag:s22] =	dma.local [hbm:s5], s20  }
0x9e: {  	_ =	swait.ge [sflag:s22], s20  }
0x9f: {  	s4 =	ssub.s32 $0x0, s20;
	[sflag:s22] =	ssyncset.done $0x0  }
0xa0: {  	[sflag:s22] =	ssyncadd.s32 s4;
	_ =	sdelay $0x1  }
0xa1: {  	s23 =	simm.s32 $0x1B8B  }
0xa2: {  	_ =	swait.ge [sflag:s23], $0x1  }
0xa3: {  	[sflag:s23] =	ssyncset.done $0x0  }
0xa4: {  	s25 =	simm.s32 $0x1B8E;
	s24 =	sld [smem:$0x3FFE];
	[sflag:s23] =	ssyncadd.s32 $0xFFFFFFFF  }
0xa5: {  	s26 =	simm.s32 $execute0_lowered;
	[smem:$0x3FD2] =	sst s25  }
0xa6: {  	s5 =	sshll.u32 s26, $0x1;
	_ =	strace $0x80000046;
	[dreg:$0x1] =	wrdreg $0xFFFFFFFF  }
0xa7: {  	s28 =	simm.s32 $_size_execute0_lowered;
	s3 =	sadd.s32 s3, s5;
	[dreg:$0x0] =	wrdreg $0x0  }
0xa8: {  	s5 =	sshll.u32 s28, $0x1;
	[dreg:$0x2] =	wrdreg s3  }
0xa9: {  	[dreg:$0x3] =	wrdreg s5  }
0xaa: {  	[dreg:$0x4] =	wrdreg $0xC0  }
0xab: {  	_ =	task [dreg:s7], $0x5FFFF  }
0xac: {  	[dreg:$0x1] =	wrdreg $0xFFFFFFFF  }
0xad: {  	[dreg:$0x0] =	wrdreg $0x60  }
0xae: {  	[dreg:$0x2] =	wrdreg s24  }
0xaf: {  	[dreg:$0x3] =	wrdreg s2  }
0xb0: {  	[dreg:$0x4] =	wrdreg $0x0  }
0xb1: {  	[dreg:$0x5] =	wrdreg $0x9  }
0xb2: {  	_ =	task.clear_ibuf [dreg:s7], $0x6FFFF;
	_ =	strace $0x90000046  }
0xb3: {  	s29 =	simm.s32 $0x9;
	_ =	strace $0x80000048  }
0xb4: {  	_ =	swait.ge [sflag:s29], $0x1  }
0xb5: {  	[sflag:s29] =	ssyncadd.s32 $0xFFFFFFFF  }
0xb6: {  	_ =	strace $0x90000048  }
0xb7: {  	_ =	sfence  }
0xb8: {  	s30 =	sld [smem:$0x0];
	_ =	sdelay $0x2  }
0xb9: {  	s31 =	sshll.u32 s1, $0xD;
	s1 =	sshrl.u32 s1, $0x2  }
0xba: {  	s3 =	sand.u32 $0x4000, s31;
	s1 =	sadd.s32 s1, s30  }
0xbb: {  	s0 =	sor.u32 s3, s0;
	s1 =	sshll.u32 s1, $0x11  }
0xbc: {  	s0 =	sor.u32 s1, s0  }
0xbd: {  	s0 =	sadd.s32 $0x8F2B, s0  }
0xbe: {  	[sflag:s0] =	ssyncadd.remote.s32 $0x1  }
0xbf: {  	_ =	sfence.sel $0xFFFF  }
0xc0: {  	[dreg:$0x0] =	wrdreg $0xFFFFFFFF;
	(pc) =	sbr.abs _section_cstart, $3  }
0xc1: {  	[dreg:$0x1] =	wrdreg $0xFFFFFFFF  }
0xc2: {  	_ =	task.clear_ibuf [dreg:s7], $0x2FFFF;
	_ =	strace $0x9FFFFFFF  }
0xc3: {  	(tm) =	ssettm $0x7FFFFFFF  }
tec
execute0_lowered:
.L_overlay_start_1:
0x0: {  	(tag) =	ssettag $0x1  }
0x1: {  	s6 =	rddreg [dreg:$0x0]  }
0x2: {  	s1 =	rddreg [dreg:$0x1]  }
0x3: {  	s2 =	rddreg [dreg:$0x2]  }
0x4: {  	s3 =	srdreg.scid;
	s0 =	rddreg [dreg:$0x3]  }
0x5: {  	s4 =	simm.s32 $0x0;
	s18 =	simm.s32 $0x138C0;
	s19 =	simm.s32 $0x139C0  }
0x6: {  	s20 =	simm.s32 $0x80;
	s21 =	simm.s32 $0x13940;
	s22 =	simm.s32 $0x13A40  }
0x7: {  	s23 =	simm.s32 $0x1;
	s7 =	sand.u32 $0x1, s3;
	s3 =	stileid.u32  }
0x8: {  	s24 =	simm.s32 $0x2;
	s25 =	simm.s32 $0x0;
	s8 =	smul.u32 $0x4F000, s3  }
0x9: {  	[smem:$0x7FF] =	sst s4;
	s10 =	sadd.s32 $0x1E00, s6;
	s12 =	smul.u32 $0x138C00, s7  }
0xa: {  	s15 =	sadd.s32 $0x18600, s6;
	s17 =	sadd.s32 $0x128400, s2;
	s14 =	smul.u32 $0x13C00, s3  }
0xb: {  	s5 =	sshll.u32 s7, $0x4;
	_ =	strace $0x80000047;
	s26 =	smul.u32 $0x500, s7  }
0xc: {  	s11 =	ssub.s32 $0x2, s7;
	s29 =	smul.u32 $0x50, s3;
	s5 =	sor.u32 s3, s5  }
0xd: {  	p0 =	seq.s32 s3, $0xF;
	s13 =	sshrl.u32 s11, $0x1;
	s9 =	smul.u32 $0xA00, s5  }
0xe: {  	s5 =	sadd.s32 $0x15E00, s6;
	s11 =	ssub.s32 s11, s13;
	s28 =	sshrl.u32 s8, $0x2  }
0xf: {  	s30 =	sadd.s32 s14, s12;
	s12 =	sshrl.u32 s12, $0x3;
	s8 =	sadd.s32 s29, s26  }
0x10: {  	s14 =	sshll.u32 @!p0 s3, $0x6;
	s16 =	sadd.s32 s28, s2;
	s12 =	sadd.s32 s15, s12  }
0x11: {  	s13 =	sshll.u32 s8, $0x5;
	s14 =	sor.u32 @!p0 $0x1C03, s14;
	s6 =	sadd.s32 s10, s9  }
0x12: {  	s9 =	sshrl.u32 s30, $0x3;
	s31 =	sadd.s32 s13, s10;
	s10 =	smax.u32 s11, $0x1  }
0x13: {  	s13 =	sshrl.u32 @p0 s17, $0x3;
	s17 =	simm.s32 $0x3;
	s7 =	sadd.s32 $0x20, s6  }
0x14: {  	s8 =	sadd.s32 s15, s9;
	s9 =	sadd.s32 $0x25080, s12;
	s11 =	sadd.s32 $0x60, s31  }
0x15: {  	s12 =	sadd.s32 $0x40, s31;
	s15 =	sshrl.u32 @!p0 s16, $0x3;
	s16 =	simm.s32 $0x13AC0  }
.LBB2_1:
0x16: {  	s26 =	simm.s32 @p0 $0x1FC3  }
0x17: {  	[spmem:s13], [sflag:s26] =	dma.local @p0 [hbm:s5], $0x2100  }
0x18: {  	s26 =	simm.s32 @p0 $0x3  }
0x19: {  	_ =	swait.ge @p0 [sflag:s26], $0x2100  }
0x1a: {  	[sflag:s26] =	ssyncset.done @p0 $0x0  }
0x1b: {  	[sflag:s26] =	ssyncadd.s32 @p0 $0xFFFFDF00;
	s26 =	simm.s32 @!p0 $0x3  }
0x1c: {  	[spmem:s15], [sflag:s14] =	dma.local @!p0 [hbm:s5], $0x2780  }
0x1d: {  	_ =	swait.ge @!p0 [sflag:s26], $0x2780  }
0x1e: {  	[sflag:s26] =	ssyncset.done @!p0 $0x0  }
0x1f: {  	[sflag:s26] =	ssyncadd.s32 @!p0 $0xFFFFD880  }
0x20: {  	[tilespmem:s16], [sflag:$0x3] =	stream.linear.gather [hbm4b:s1+s4], $0x4000, $0x38;
	[tilespmem:$0x17AC0] =	vst v63  }
0x21: {  	_ =	swait.ge [sflag:s17], $0x4000  }
0x22: {  	[sflag:s17] =	ssyncset.done $0x0  }
0x23: {  	[sflag:s17] =	ssyncadd.s32 $0xFFFFC000  }
0x24: {  	[bflag:$0x0] =	sbarrier.arrive $0xFFFF  }
0x25: {  	[tilespmem:s18], [sflag:$0x3] =	stream.linear.gather [hbm4b:s6+s4], $0x100, $0x38;
	[tilespmem:$0x17AC0] =	vst v63  }
0x26: {  	_ =	swait.ge [sflag:s17], $0x100  }
0x27: {  	[sflag:s17] =	ssyncset.done $0x0  }
0x28: {  	[sflag:s17] =	ssyncadd.s32 $0xFFFFFF00  }
0x29: {  	[tilespmem:s19], [sflag:$0x3] =	stream.linear.gather [hbm4b:s7+s4], $0x100, $0x38;
	[tilespmem:$0x17AC0] =	vst v63  }
0x2a: {  	_ =	swait.ge [sflag:s17], $0x100  }
0x2b: {  	[sflag:s17] =	ssyncset.done $0x0  }
0x2c: {  	[sflag:s17] =	ssyncadd.s32 $0xFFFFFF00  }
0x2d: {  	[spmem:s2] =	stream.indirect.scatter.add.f32 [tilespmem:s16], [sflag:$0x1], $0x80, s21, s20, $0xb8;
	[tilespmem:$0x17AC0] =	vst v63  }
0x2e: {  	_ = 	snop  }
0x2f: {  	[spmem:s2] =	stream.indirect.scatter.add.f32 [tilespmem:s16], [sflag:$0x2], $0x80, s22, s20, $0xb8;
	[tilespmem:$0x17AC0] =	vst v63  }
0x30: {  	_ =	swait.ge [sflag:s23], $0x4000  }
0x31: {  	[sflag:s23] =	ssyncset.done $0x0  }
0x32: {  	s30 =	sadd.s32 $0x0, s12;
	[sflag:s23] =	ssyncadd.s32 $0xFFFFC000  }
0x33: {  	[tilespmem:s18], [sflag:$0x3] =	stream.linear.gather [hbm4b:s30+s4], $0x100, $0x38;
	[tilespmem:$0x17AC0] =	vst v63  }
0x34: {  	_ =	swait.ge [sflag:s17], $0x100  }
0x35: {  	[sflag:s17] =	ssyncset.done $0x0  }
0x36: {  	[sflag:s17] =	ssyncadd.s32 $0xFFFFFF00  }
0x37: {  	[spmem:s2] =	stream.indirect.scatter.add.f32 [tilespmem:s16], [sflag:$0x1], $0x80, s21, s20, $0xb8;
	[tilespmem:$0x17AC0] =	vst v63  }
0x38: {  	_ =	swait.ge [sflag:s24], $0x4000  }
0x39: {  	[sflag:s24] =	ssyncset.done $0x0  }
0x3a: {  	s31 =	sadd.s32 $0x0, s11;
	[sflag:s24] =	ssyncadd.s32 $0xFFFFC000  }
0x3b: {  	[tilespmem:s19], [sflag:$0x3] =	stream.linear.gather [hbm4b:s31+s4], $0x100, $0x38;
	[tilespmem:$0x17AC0] =	vst v63  }
0x3c: {  	_ =	swait.ge [sflag:s17], $0x100  }
0x3d: {  	[sflag:s17] =	ssyncset.done $0x0  }
0x3e: {  	s26 =	simm.s32 $0x40;
	[sflag:s17] =	ssyncadd.s32 $0xFFFFFF00  }
.LBB2_2:
0x3f: {  	[spmem:s2] =	stream.indirect.scatter.add.f32 [tilespmem:s16], [sflag:$0x2], $0x80, s22, s20, $0xb8;
	[tilespmem:$0x17AC0] =	vst v63  }
0x40: {  	s28 =	smov.u32 s26  }
0x41: {  	p1 =	sne.s32 s26, $0x980;
	s26 =	sadd.s32 $0x40, s26;
	_ =	swait.ge [sflag:s23], $0x4000  }
0x42: {  	[sflag:s23] =	ssyncset.done $0x0  }
0x43: {  	s29 =	sadd.s32 s28, s12;
	[sflag:s23] =	ssyncadd.s32 $0xFFFFC000  }
0x44: {  	[tilespmem:s18], [sflag:$0x3] =	stream.linear.gather [hbm4b:s29+s4], $0x100, $0x38;
	[tilespmem:$0x17AC0] =	vst v63  }
0x45: {  	_ =	swait.ge [sflag:s17], $0x100  }
0x46: {  	[sflag:s17] =	ssyncset.done $0x0  }
0x47: {  	[sflag:s17] =	ssyncadd.s32 $0xFFFFFF00  }
0x48: {  	[spmem:s2] =	stream.indirect.scatter.add.f32 [tilespmem:s16], [sflag:$0x1], $0x80, s21, s20, $0xb8;
	[tilespmem:$0x17AC0] =	vst v63  }
0x49: {  	_ =	swait.ge [sflag:s24], $0x4000  }
0x4a: {  	[sflag:s24] =	ssyncset.done $0x0  }
.Ltmp0:
0x4b: {  	s28 =	sadd.s32 s28, s11;
	[sflag:s24] =	ssyncadd.s32 $0xFFFFC000;
	(pc) =	sbr.rel @p1 .LBB2_2-.Ltmp0, $4  }
0x4c: {  	[tilespmem:s19], [sflag:$0x3] =	stream.linear.gather [hbm4b:s28+s4], $0x100, $0x38;
	[tilespmem:$0x17AC0] =	vst v63  }
0x4d: {  	_ =	swait.ge [sflag:s17], $0x100  }
0x4e: {  	[sflag:s17] =	ssyncset.done $0x0  }
0x4f: {  	[sflag:s17] =	ssyncadd.s32 $0xFFFFFF00  }
0x50: {  	[spmem:s2] =	stream.indirect.scatter.add.f32 [tilespmem:s16], [sflag:$0x2], $0x80, s22, s20, $0xb8;
	[tilespmem:$0x17AC0] =	vst v63  }
0x51: {  	_ =	swait.ge [sflag:s23], $0x4000  }
0x52: {  	[sflag:s23] =	ssyncset.done $0x0  }
0x53: {  	[sflag:s23] =	ssyncadd.s32 $0xFFFFC000  }
0x54: {  	_ =	swait.ge [sflag:s24], $0x4000  }
0x55: {  	[sflag:s24] =	ssyncset.done $0x0  }
0x56: {  	[sflag:s24] =	ssyncadd.s32 $0xFFFFC000  }
0x57: {  	s26 =	simm.s32 @p0 $0x1FC3;
	[bflag:$0x0] =	sbarrier.arrive $0xFFFF  }
0x58: {  	[hbm:s9], [sflag:s26] =	dma.local @p0 [spmem:s13], $0x2100  }
0x59: {  	s26 =	simm.s32 @p0 $0x3  }
0x5a: {  	s25 =	sadd.s32 $0x1, s25;
	_ =	swait.ge @p0 [sflag:s26], $0x2100  }
0x5b: {  	p1 =	sne.s32 s25, s10;
	[sflag:s26] =	ssyncset.done @p0 $0x0  }
.Ltmp1:
0x5c: {  	[sflag:s26] =	ssyncadd.s32 @p0 $0xFFFFDF00;
	s26 =	simm.s32 @!p0 $0x3;
	(pc) =	sbr.rel @p1 .LBB2_1-.Ltmp1, $4  }
0x5d: {  	[hbm:s8], [sflag:s14] =	dma.local @!p0 [spmem:s15], $0x2780  }
0x5e: {  	_ =	swait.ge @!p0 [sflag:s26], $0x2780  }
0x5f: {  	[sflag:s26] =	ssyncset.done @!p0 $0x0  }
0x60: {  	[sflag:s26] =	ssyncadd.s32 @!p0 $0xFFFFD880  }
0x61: {  	_ =	sfence.sel $0x180000  }
0x62: {  	[bflag:$0x0] =	sbarrier.arrive $0xFFFF  }
0x63: {  	p0 =	sne.s32 s3, $0x0;
	_ =	strace $0x90000047  }
0x64: {  	s0 =	sadd.s32 @!p0 $0x100000, s0;
	[bflag:$0x2] =	sbarrier.arrive $0xFFFF  }
0x65: {  	[sflag:s0] =	ssyncadd.tile.s32 @!p0 $0x1;
	_ =	shalt  }
.Lfunc_end2:
_tile_overlayer_lowered:
.L_overlay_start_2:
0x66: {  	(tag) =	ssettag $0x2  }
0x67: {  	s0 =	rddreg [dreg:$0x0];
	s2 =	stileid.u32  }
0x68: {  	s1 =	rddreg [dreg:$0x1];
	p0 =	sne.s32 s2, $0x0  }
0x69: {  	s3 =	rddreg [dreg:$0x2];
	[bflag:$0x3] =	sbarrier.arrive $0xFFFF;
	s2 =	simm.s32 @!p0 $0x1C03  }
0x6a: {  	[timem:s3], [sflag:s2] =	dma.local @!p0 [hbm:s0], s1  }
0x6b: {  	s0 =	simm.s32 @!p0 $0x3  }
0x6c: {  	_ =	swait.ge @!p0 [sflag:s0], s1  }
0x6d: {  	s1 =	ssub.s32 @!p0 $0x0, s1;
	[sflag:s0] =	ssyncset.done @!p0 $0x0  }
0x6e: {  	[sflag:s0] =	ssyncadd.s32 @!p0 s1  }
0x6f: {  	[bflag:$0x3] =	sbarrier.arrive $0xFFFF  }
0x70: {  	_ =	shalt  }

</sc_bundles>
